<compile_context>
chip_gen: v7x
topology: tpu7x:2x2x1
jax: 0.10.2.dev20260603
libtpu: 0.0.44.dev20260713+nightly
codegen_flags: <defaults>
</compile_context>

<pallas_src>
import functools

import jax
import jax.numpy as jnp
from jax import lax
from jax.experimental import pallas as pl
from jax.experimental.pallas import tpu as pltpu
from jax.experimental.pallas import tpu_sc as plsc

_M = 18432
_N = 8192
_K = 256
_MB = 256
_GRID = _M // _MB

_NW = 32
_RPW = _M // _NW
_CH = 96
_NCH = _RPW // _CH

_COMMIT = 0.25


def _dist_argmin_body(x_ref, e_ref, esq_ref, xsq_ref, idx_ref, losssum_ref,
                      cnt_ref):
    i = pl.program_id(0)
    x = x_ref[...]
    xsq = xsq_ref[...]
    cross = lax.dot_general(
        x.astype(jnp.bfloat16), e_ref[...],
        (((1,), (1,)), ((), ())),
        preferred_element_type=jnp.float32)
    d2 = jnp.maximum(xsq - 2.0 * cross + esq_ref[...], 0.0)
    dist = jnp.sqrt(d2)
    minval = jnp.min(dist, axis=1, keepdims=True)
    iota = lax.broadcasted_iota(jnp.int32, (_MB, _N), 1)
    idx = jnp.min(jnp.where(dist == minval, iota, _N), axis=1)
    idx_ref[...] = idx[:, None]
    blk = jnp.sum(minval * minval)
    hi = lax.shift_right_logical(idx, 7)[:, None]
    lo = lax.bitwise_and(idx, 127)[:, None]
    iota64 = lax.broadcasted_iota(jnp.int32, (_MB, 64), 1)
    iota128 = lax.broadcasted_iota(jnp.int32, (_MB, 128), 1)
    a = jnp.where(iota64 == hi, 1.0, 0.0).astype(jnp.bfloat16)
    b = jnp.where(iota128 == lo, 1.0, 0.0).astype(jnp.bfloat16)
    cnt = lax.dot_general(a, b, (((0,), (0,)), ((), ())),
                          preferred_element_type=jnp.float32)

    @pl.when(i == 0)
    def _():
        losssum_ref[...] = blk.reshape(1, 1)
        cnt_ref[...] = cnt

    @pl.when(i != 0)
    def _():
        losssum_ref[...] += blk.reshape(1, 1)
        cnt_ref[...] += cnt


_dist_argmin = pl.pallas_call(
    _dist_argmin_body,
    grid=(_GRID,),
    in_specs=[
        pl.BlockSpec((_MB, _K), lambda i: (i, 0)),
        pl.BlockSpec((_N, _K), lambda i: (0, 0)),
        pl.BlockSpec((1, _N), lambda i: (0, 0)),
        pl.BlockSpec((_MB, 1), lambda i: (i, 0)),
    ],
    out_specs=[
        pl.BlockSpec((_MB, 1), lambda i: (i, 0)),
        pl.BlockSpec((1, 1), lambda i: (0, 0)),
        pl.BlockSpec((64, 128), lambda i: (0, 0)),
    ],
    out_shape=[
        jax.ShapeDtypeStruct((_M, 1), jnp.int32),
        jax.ShapeDtypeStruct((1, 1), jnp.float32),
        jax.ShapeDtypeStruct((64, 128), jnp.float32),
    ],
    compiler_params=pltpu.CompilerParams(
        dimension_semantics=("arbitrary",)),
)


def _sc_gather_body(emb_hbm, idx_hbm, quant_hbm, idx_v, rows_v, sem):
    wid = lax.axis_index("s") * 2 + lax.axis_index("c")
    base = wid * _RPW
    for c in range(_NCH):
        pltpu.sync_copy(idx_hbm.at[pl.ds(base + c * _CH, _CH)], idx_v)
        pltpu.async_copy(emb_hbm.at[idx_v], rows_v, sem).wait()
        pltpu.sync_copy(rows_v, quant_hbm.at[wid, pl.ds(c * _CH, _CH)])


@functools.cache
def _sc_gather():
    return functools.partial(
        pl.kernel,
        mesh=plsc.VectorSubcoreMesh(core_axis_name="c", subcore_axis_name="s"),
        out_type=jax.ShapeDtypeStruct((_NW, _RPW, _K), jnp.float32),
        scratch_types=[
            pltpu.VMEM((_CH,), jnp.int32),
            pltpu.VMEM((_CH, _K), jnp.float32),
            pltpu.SemaphoreType.DMA,
        ],
    )(_sc_gather_body)


def _finalize_body(counts_ref, losssum_ref, loss_ref, perp_ref):
    avg = counts_ref[...] / jnp.float32(_M)
    ent = -jnp.sum(avg * jnp.log(avg + 1e-10))
    perp_ref[...] = jnp.exp(ent).reshape(1, 1)
    m = losssum_ref[...] / jnp.float32(_M * _K)
    loss_ref[...] = m + _COMMIT * m


_finalize = pl.pallas_call(
    _finalize_body,
    out_shape=[
        jax.ShapeDtypeStruct((1, 1), jnp.float32),
        jax.ShapeDtypeStruct((1, 1), jnp.float32),
    ],
)


def kernel(inputs, embedding_weight):
    batch, seq, dim = inputs.shape
    flat = inputs.reshape(batch * seq, dim)
    esq = jnp.sum(embedding_weight ** 2, axis=1)[None, :]
    xsq = jnp.sum(flat ** 2, axis=1, keepdims=True)
    ebf = embedding_weight.astype(jnp.bfloat16)
    idx2d, losssum, counts = _dist_argmin(flat, ebf, esq, xsq)
    idx = idx2d.reshape(_M)
    quant = _sc_gather()(embedding_weight, idx)
    loss2d, perp2d = _finalize(counts, losssum)
    return (quant, loss2d.reshape(()), perp2d.reshape(()), idx)

# --- scband reference (transcript-rebuilt; emitter-appended) ---
"""Pipeline reference for scband-vector-quantizer-13056700580244 (READ-ONLY COPY).

The authoritative reference and input builder live on the scoring server;
editing this copy changes nothing except your own understanding.
"""

import jax, jax.numpy as jnp
import numpy as np

NUM_EMBEDDINGS = 8192
EMBEDDING_DIM = 256
COMMITMENT_COST = 0.25


def setup_inputs(seed: int = 0) -> dict:
    key = jax.random.key(seed)
    k1, k2 = jax.random.split(key)
    inputs = jax.random.normal(k1, (32, 576, 256), dtype=jnp.float32)
    embedding_weight = jax.random.uniform(
        k2, (NUM_EMBEDDINGS, EMBEDDING_DIM), dtype=jnp.float32,
        minval=-1.0 / NUM_EMBEDDINGS, maxval=1.0 / NUM_EMBEDDINGS)
    return {"inputs": inputs, "embedding_weight": embedding_weight}


def reference(inputs, embedding_weight):
    batch_size, sequence_length, embedding_dim = inputs.shape
    flat_inputs = inputs.reshape(batch_size * sequence_length, embedding_dim)
    # cdist p=2: euclidean distances between flat_inputs and codebook
    x_sq = jnp.sum(flat_inputs ** 2, axis=1, keepdims=True)
    e_sq = jnp.sum(embedding_weight ** 2, axis=1)[None, :]
    cross = flat_inputs @ embedding_weight.T
    d2 = jnp.maximum(x_sq - 2.0 * cross + e_sq, 0.0)
    distances = jnp.sqrt(d2)
    encoding_indices = jnp.argmin(distances, axis=1)
    encodings = jax.nn.one_hot(encoding_indices, NUM_EMBEDDINGS, dtype=jnp.float32)
    quantized = jnp.take(embedding_weight, encoding_indices, axis=0)
    quantized = quantized.reshape(inputs.shape)
    e_latent_loss = jnp.mean((jax.lax.stop_gradient(quantized) - inputs) ** 2)
    q_latent_loss = jnp.mean((quantized - jax.lax.stop_gradient(inputs)) ** 2)
    loss = q_latent_loss + COMMITMENT_COST * e_latent_loss
    quantized_st = inputs + jax.lax.stop_gradient(quantized - inputs)
    avg_probs = jnp.mean(encodings, axis=0)
    perplexity = jnp.exp(-jnp.sum(avg_probs * jnp.log(avg_probs + 1e-10)))
    return (quantized_st, loss, perplexity, encoding_indices)

if __name__ == "__main__":
    import jax
    _d = setup_inputs()
    print(jax.jit(kernel)(*tuple(_d.values())))

</pallas_src>

<mosaic_0001>
#map = affine_map<(d0, d1) -> (0, 0)>
#map1 = affine_map<(d0, d1) -> (0)>
#map2 = affine_map<(d0, d1) -> (0, 0, 0)>
module attributes {stable_mosaic.version = 14 : i64} {
  func.func @_sc_gather_body(%arg0: i32, %arg1: i32, %arg2: memref<8192x256xf32, #tpu.memory_space<hbm>>, %arg3: memref<18432xi32, #tpu.memory_space<hbm>>, %arg4: memref<32x576x256xf32, #tpu.memory_space<hbm>>, %arg5: memref<96xi32, #tpu.memory_space<vmem>>, %arg6: memref<96x256xf32, #tpu.memory_space<vmem>>, %arg7: memref<!tpu.dma_semaphore, #tpu.memory_space<semaphore_mem>>) attributes {dimension_semantics = [#tpu.dimension_semantics<core_parallel>, #tpu.dimension_semantics<subcore_parallel>], iteration_bounds = array<i64: 2, 16>, scalar_prefetch = 0 : i64, scratch_operands = 3 : i64, tpu.core_type = #tpu.core_type<sc_vector_subcore>, window_params = [{transform_indices = #map}, {transform_indices = #map1}, {transform_indices = #map2}]} {
    %mul3A = arith.constant 2 : i32
    %mul3A_0 = arith.muli %arg1, %mul3A : i32
    %add3A = arith.addi %mul3A_0, %arg0 : i32
    %mul3A_1 = arith.constant 576 : i32
    %mul3A_2 = arith.muli %add3A, %mul3A_1 : i32
    %add3A_3 = arith.constant 0 : i32
    %add3A_4 = arith.addi %mul3A_2, %add3A_3 : i32
    "tpu.region"() ({
      %run_scoped3A = tpu.sem_alloc : memref<!tpu.dma_semaphore, #tpu.memory_space<semaphore_mem>>
      %dma_start3A_49 = tpu.memref_slice %arg3[%add3A_4] : memref<18432xi32, #tpu.memory_space<hbm>> -> memref<96xi32, #tpu.memory_space<hbm>>
      %dma_start3A_50 = tpu.memref_slice %arg3[%add3A_4] : memref<18432xi32, #tpu.memory_space<hbm>> -> memref<96xi32, #tpu.memory_space<hbm>>
      tpu.enqueue_dma source(%dma_start3A_50 : memref<96xi32, #tpu.memory_space<hbm>>) target(%arg5 : memref<96xi32, #tpu.memory_space<vmem>>) target_semaphore(%run_scoped3A : memref<!tpu.dma_semaphore, #tpu.memory_space<semaphore_mem>>)
      %dma_wait3A_51 = tpu.memref_slice %arg3[%add3A_4] : memref<18432xi32, #tpu.memory_space<hbm>> -> memref<96xi32, #tpu.memory_space<hbm>>
      %dma_wait3A_52 = tpu.memref_slice %arg3[%add3A_4] : memref<18432xi32, #tpu.memory_space<hbm>> -> memref<96xi32, #tpu.memory_space<hbm>>
      tpu.wait_dma2 semaphore(%run_scoped3A : memref<!tpu.dma_semaphore, #tpu.memory_space<semaphore_mem>>) src(%dma_wait3A_52 : memref<96xi32, #tpu.memory_space<hbm>>) dst(%arg5 : memref<96xi32, #tpu.memory_space<vmem>>)
      tpu.yield
    }) : () -> ()
    %dma_start3A = arith.constant 0 : i32
    %dma_start3A_5 = arith.constant 0 : i32
    %dma_start3A_6 = tpu.memref_slice %arg2[%dma_start3A, %dma_start3A_5] : memref<8192x256xf32, #tpu.memory_space<hbm>> -> memref<8192x256xf32, #tpu.memory_space<hbm>>
    tpu.enqueue_indirect_dma source(%dma_start3A_6 : memref<8192x256xf32, #tpu.memory_space<hbm>>) target(%arg6 : memref<96x256xf32, #tpu.memory_space<vmem>>) offsets(%arg5 : memref<96xi32, #tpu.memory_space<vmem>>) semaphore(%arg7 : memref<!tpu.dma_semaphore, #tpu.memory_space<semaphore_mem>>)
    %dma_wait3A = arith.constant 0 : i32
    %dma_wait3A_7 = arith.constant 0 : i32
    %dma_wait3A_8 = tpu.memref_slice %arg2[%dma_wait3A, %dma_wait3A_7] : memref<8192x256xf32, #tpu.memory_space<hbm>> -> memref<8192x256xf32, #tpu.memory_space<hbm>>
    tpu.wait_indirect_dma semaphore(%arg7 : memref<!tpu.dma_semaphore, #tpu.memory_space<semaphore_mem>>) src(%dma_wait3A_8 : memref<8192x256xf32, #tpu.memory_space<hbm>>) dst(%arg6 : memref<96x256xf32, #tpu.memory_space<vmem>>)
    "tpu.region"() ({
      %run_scoped3A = tpu.sem_alloc : memref<!tpu.dma_semaphore, #tpu.memory_space<semaphore_mem>>
      %dma_start3A_49 = arith.constant 0 : i32
      %dma_start3A_50 = arith.constant 0 : i32
      %dma_start3A_51 = tpu.memref_slice %arg4[%add3A, %dma_start3A_49, %dma_start3A_50] : memref<32x576x256xf32, #tpu.memory_space<hbm>> -> memref<1x96x256xf32, #tpu.memory_space<hbm>>
      %dma_start3A_52 = tpu.memref_squeeze %dma_start3A_51 : memref<1x96x256xf32, #tpu.memory_space<hbm>> -> memref<96x256xf32, #tpu.memory_space<hbm>>
      %dma_start3A_53 = arith.constant 0 : i32
      %dma_start3A_54 = arith.constant 0 : i32
      %dma_start3A_55 = tpu.memref_slice %arg4[%add3A, %dma_start3A_53, %dma_start3A_54] : memref<32x576x256xf32, #tpu.memory_space<hbm>> -> memref<1x96x256xf32, #tpu.memory_space<hbm>>
      %dma_start3A_56 = tpu.memref_squeeze %dma_start3A_55 : memref<1x96x256xf32, #tpu.memory_space<hbm>> -> memref<96x256xf32, #tpu.memory_space<hbm>>
      tpu.enqueue_dma source(%arg6 : memref<96x256xf32, #tpu.memory_space<vmem>>) target(%dma_start3A_56 : memref<96x256xf32, #tpu.memory_space<hbm>>) target_semaphore(%run_scoped3A : memref<!tpu.dma_semaphore, #tpu.memory_space<semaphore_mem>>)
      %dma_wait3A_57 = arith.constant 0 : i32
      %dma_wait3A_58 = arith.constant 0 : i32
      %dma_wait3A_59 = tpu.memref_slice %arg4[%add3A, %dma_wait3A_57, %dma_wait3A_58] : memref<32x576x256xf32, #tpu.memory_space<hbm>> -> memref<1x96x256xf32, #tpu.memory_space<hbm>>
      %dma_wait3A_60 = tpu.memref_squeeze %dma_wait3A_59 : memref<1x96x256xf32, #tpu.memory_space<hbm>> -> memref<96x256xf32, #tpu.memory_space<hbm>>
      %dma_wait3A_61 = arith.constant 0 : i32
      %dma_wait3A_62 = arith.constant 0 : i32
      %dma_wait3A_63 = tpu.memref_slice %arg4[%add3A, %dma_wait3A_61, %dma_wait3A_62] : memref<32x576x256xf32, #tpu.memory_space<hbm>> -> memref<1x96x256xf32, #tpu.memory_space<hbm>>
      %dma_wait3A_64 = tpu.memref_squeeze %dma_wait3A_63 : memref<1x96x256xf32, #tpu.memory_space<hbm>> -> memref<96x256xf32, #tpu.memory_space<hbm>>
      tpu.wait_dma2 semaphore(%run_scoped3A : memref<!tpu.dma_semaphore, #tpu.memory_space<semaphore_mem>>) src(%arg6 : memref<96x256xf32, #tpu.memory_space<vmem>>) dst(%dma_wait3A_64 : memref<96x256xf32, #tpu.memory_space<hbm>>)
      tpu.yield
    }) : () -> ()
    %add3A_9 = arith.constant 96 : i32
    %add3A_10 = arith.addi %mul3A_2, %add3A_9 : i32
    "tpu.region"() ({
      %run_scoped3A = tpu.sem_alloc : memref<!tpu.dma_semaphore, #tpu.memory_space<semaphore_mem>>
      %dma_start3A_49 = tpu.memref_slice %arg3[%add3A_10] : memref<18432xi32, #tpu.memory_space<hbm>> -> memref<96xi32, #tpu.memory_space<hbm>>
      %dma_start3A_50 = tpu.memref_slice %arg3[%add3A_10] : memref<18432xi32, #tpu.memory_space<hbm>> -> memref<96xi32, #tpu.memory_space<hbm>>
      tpu.enqueue_dma source(%dma_start3A_50 : memref<96xi32, #tpu.memory_space<hbm>>) target(%arg5 : memref<96xi32, #tpu.memory_space<vmem>>) target_semaphore(%run_scoped3A : memref<!tpu.dma_semaphore, #tpu.memory_space<semaphore_mem>>)
      %dma_wait3A_51 = tpu.memref_slice %arg3[%add3A_10] : memref<18432xi32, #tpu.memory_space<hbm>> -> memref<96xi32, #tpu.memory_space<hbm>>
      %dma_wait3A_52 = tpu.memref_slice %arg3[%add3A_10] : memref<18432xi32, #tpu.memory_space<hbm>> -> memref<96xi32, #tpu.memory_space<hbm>>
      tpu.wait_dma2 semaphore(%run_scoped3A : memref<!tpu.dma_semaphore, #tpu.memory_space<semaphore_mem>>) src(%dma_wait3A_52 : memref<96xi32, #tpu.memory_space<hbm>>) dst(%arg5 : memref<96xi32, #tpu.memory_space<vmem>>)
      tpu.yield
    }) : () -> ()
    %dma_start3A_11 = arith.constant 0 : i32
    %dma_start3A_12 = arith.constant 0 : i32
    %dma_start3A_13 = tpu.memref_slice %arg2[%dma_start3A_11, %dma_start3A_12] : memref<8192x256xf32, #tpu.memory_space<hbm>> -> memref<8192x256xf32, #tpu.memory_space<hbm>>
    tpu.enqueue_indirect_dma source(%dma_start3A_13 : memref<8192x256xf32, #tpu.memory_space<hbm>>) target(%arg6 : memref<96x256xf32, #tpu.memory_space<vmem>>) offsets(%arg5 : memref<96xi32, #tpu.memory_space<vmem>>) semaphore(%arg7 : memref<!tpu.dma_semaphore, #tpu.memory_space<semaphore_mem>>)
    %dma_wait3A_14 = arith.constant 0 : i32
    %dma_wait3A_15 = arith.constant 0 : i32
    %dma_wait3A_16 = tpu.memref_slice %arg2[%dma_wait3A_14, %dma_wait3A_15] : memref<8192x256xf32, #tpu.memory_space<hbm>> -> memref<8192x256xf32, #tpu.memory_space<hbm>>
    tpu.wait_indirect_dma semaphore(%arg7 : memref<!tpu.dma_semaphore, #tpu.memory_space<semaphore_mem>>) src(%dma_wait3A_16 : memref<8192x256xf32, #tpu.memory_space<hbm>>) dst(%arg6 : memref<96x256xf32, #tpu.memory_space<vmem>>)
    "tpu.region"() ({
      %run_scoped3A = tpu.sem_alloc : memref<!tpu.dma_semaphore, #tpu.memory_space<semaphore_mem>>
      %dma_start3A_49 = arith.constant 96 : i32
      %dma_start3A_50 = arith.constant 0 : i32
      %dma_start3A_51 = tpu.memref_slice %arg4[%add3A, %dma_start3A_49, %dma_start3A_50] : memref<32x576x256xf32, #tpu.memory_space<hbm>> -> memref<1x96x256xf32, #tpu.memory_space<hbm>>
      %dma_start3A_52 = tpu.memref_squeeze %dma_start3A_51 : memref<1x96x256xf32, #tpu.memory_space<hbm>> -> memref<96x256xf32, #tpu.memory_space<hbm>>
      %dma_start3A_53 = arith.constant 96 : i32
      %dma_start3A_54 = arith.constant 0 : i32
      %dma_start3A_55 = tpu.memref_slice %arg4[%add3A, %dma_start3A_53, %dma_start3A_54] : memref<32x576x256xf32, #tpu.memory_space<hbm>> -> memref<1x96x256xf32, #tpu.memory_space<hbm>>
      %dma_start3A_56 = tpu.memref_squeeze %dma_start3A_55 : memref<1x96x256xf32, #tpu.memory_space<hbm>> -> memref<96x256xf32, #tpu.memory_space<hbm>>
      tpu.enqueue_dma source(%arg6 : memref<96x256xf32, #tpu.memory_space<vmem>>) target(%dma_start3A_56 : memref<96x256xf32, #tpu.memory_space<hbm>>) target_semaphore(%run_scoped3A : memref<!tpu.dma_semaphore, #tpu.memory_space<semaphore_mem>>)
      %dma_wait3A_57 = arith.constant 96 : i32
      %dma_wait3A_58 = arith.constant 0 : i32
      %dma_wait3A_59 = tpu.memref_slice %arg4[%add3A, %dma_wait3A_57, %dma_wait3A_58] : memref<32x576x256xf32, #tpu.memory_space<hbm>> -> memref<1x96x256xf32, #tpu.memory_space<hbm>>
      %dma_wait3A_60 = tpu.memref_squeeze %dma_wait3A_59 : memref<1x96x256xf32, #tpu.memory_space<hbm>> -> memref<96x256xf32, #tpu.memory_space<hbm>>
      %dma_wait3A_61 = arith.constant 96 : i32
      %dma_wait3A_62 = arith.constant 0 : i32
      %dma_wait3A_63 = tpu.memref_slice %arg4[%add3A, %dma_wait3A_61, %dma_wait3A_62] : memref<32x576x256xf32, #tpu.memory_space<hbm>> -> memref<1x96x256xf32, #tpu.memory_space<hbm>>
      %dma_wait3A_64 = tpu.memref_squeeze %dma_wait3A_63 : memref<1x96x256xf32, #tpu.memory_space<hbm>> -> memref<96x256xf32, #tpu.memory_space<hbm>>
      tpu.wait_dma2 semaphore(%run_scoped3A : memref<!tpu.dma_semaphore, #tpu.memory_space<semaphore_mem>>) src(%arg6 : memref<96x256xf32, #tpu.memory_space<vmem>>) dst(%dma_wait3A_64 : memref<96x256xf32, #tpu.memory_space<hbm>>)
      tpu.yield
    }) : () -> ()
    %add3A_17 = arith.constant 192 : i32
    %add3A_18 = arith.addi %mul3A_2, %add3A_17 : i32
    "tpu.region"() ({
      %run_scoped3A = tpu.sem_alloc : memref<!tpu.dma_semaphore, #tpu.memory_space<semaphore_mem>>
      %dma_start3A_49 = tpu.memref_slice %arg3[%add3A_18] : memref<18432xi32, #tpu.memory_space<hbm>> -> memref<96xi32, #tpu.memory_space<hbm>>
      %dma_start3A_50 = tpu.memref_slice %arg3[%add3A_18] : memref<18432xi32, #tpu.memory_space<hbm>> -> memref<96xi32, #tpu.memory_space<hbm>>
      tpu.enqueue_dma source(%dma_start3A_50 : memref<96xi32, #tpu.memory_space<hbm>>) target(%arg5 : memref<96xi32, #tpu.memory_space<vmem>>) target_semaphore(%run_scoped3A : memref<!tpu.dma_semaphore, #tpu.memory_space<semaphore_mem>>)
      %dma_wait3A_51 = tpu.memref_slice %arg3[%add3A_18] : memref<18432xi32, #tpu.memory_space<hbm>> -> memref<96xi32, #tpu.memory_space<hbm>>
      %dma_wait3A_52 = tpu.memref_slice %arg3[%add3A_18] : memref<18432xi32, #tpu.memory_space<hbm>> -> memref<96xi32, #tpu.memory_space<hbm>>
      tpu.wait_dma2 semaphore(%run_scoped3A : memref<!tpu.dma_semaphore, #tpu.memory_space<semaphore_mem>>) src(%dma_wait3A_52 : memref<96xi32, #tpu.memory_space<hbm>>) dst(%arg5 : memref<96xi32, #tpu.memory_space<vmem>>)
      tpu.yield
    }) : () -> ()
    %dma_start3A_19 = arith.constant 0 : i32
    %dma_start3A_20 = arith.constant 0 : i32
    %dma_start3A_21 = tpu.memref_slice %arg2[%dma_start3A_19, %dma_start3A_20] : memref<8192x256xf32, #tpu.memory_space<hbm>> -> memref<8192x256xf32, #tpu.memory_space<hbm>>
    tpu.enqueue_indirect_dma source(%dma_start3A_21 : memref<8192x256xf32, #tpu.memory_space<hbm>>) target(%arg6 : memref<96x256xf32, #tpu.memory_space<vmem>>) offsets(%arg5 : memref<96xi32, #tpu.memory_space<vmem>>) semaphore(%arg7 : memref<!tpu.dma_semaphore, #tpu.memory_space<semaphore_mem>>)
    %dma_wait3A_22 = arith.constant 0 : i32
    %dma_wait3A_23 = arith.constant 0 : i32
    %dma_wait3A_24 = tpu.memref_slice %arg2[%dma_wait3A_22, %dma_wait3A_23] : memref<8192x256xf32, #tpu.memory_space<hbm>> -> memref<8192x256xf32, #tpu.memory_space<hbm>>
    tpu.wait_indirect_dma semaphore(%arg7 : memref<!tpu.dma_semaphore, #tpu.memory_space<semaphore_mem>>) src(%dma_wait3A_24 : memref<8192x256xf32, #tpu.memory_space<hbm>>) dst(%arg6 : memref<96x256xf32, #tpu.memory_space<vmem>>)
    "tpu.region"() ({
      %run_scoped3A = tpu.sem_alloc : memref<!tpu.dma_semaphore, #tpu.memory_space<semaphore_mem>>
      %dma_start3A_49 = arith.constant 192 : i32
      %dma_start3A_50 = arith.constant 0 : i32
      %dma_start3A_51 = tpu.memref_slice %arg4[%add3A, %dma_start3A_49, %dma_start3A_50] : memref<32x576x256xf32, #tpu.memory_space<hbm>> -> memref<1x96x256xf32, #tpu.memory_space<hbm>>
      %dma_start3A_52 = tpu.memref_squeeze %dma_start3A_51 : memref<1x96x256xf32, #tpu.memory_space<hbm>> -> memref<96x256xf32, #tpu.memory_space<hbm>>
      %dma_start3A_53 = arith.constant 192 : i32
      %dma_start3A_54 = arith.constant 0 : i32
      %dma_start3A_55 = tpu.memref_slice %arg4[%add3A, %dma_start3A_53, %dma_start3A_54] : memref<32x576x256xf32, #tpu.memory_space<hbm>> -> memref<1x96x256xf32, #tpu.memory_space<hbm>>
      %dma_start3A_56 = tpu.memref_squeeze %dma_start3A_55 : memref<1x96x256xf32, #tpu.memory_space<hbm>> -> memref<96x256xf32, #tpu.memory_space<hbm>>
      tpu.enqueue_dma source(%arg6 : memref<96x256xf32, #tpu.memory_space<vmem>>) target(%dma_start3A_56 : memref<96x256xf32, #tpu.memory_space<hbm>>) target_semaphore(%run_scoped3A : memref<!tpu.dma_semaphore, #tpu.memory_space<semaphore_mem>>)
      %dma_wait3A_57 = arith.constant 192 : i32
      %dma_wait3A_58 = arith.constant 0 : i32
      %dma_wait3A_59 = tpu.memref_slice %arg4[%add3A, %dma_wait3A_57, %dma_wait3A_58] : memref<32x576x256xf32, #tpu.memory_space<hbm>> -> memref<1x96x256xf32, #tpu.memory_space<hbm>>
      %dma_wait3A_60 = tpu.memref_squeeze %dma_wait3A_59 : memref<1x96x256xf32, #tpu.memory_space<hbm>> -> memref<96x256xf32, #tpu.memory_space<hbm>>
      %dma_wait3A_61 = arith.constant 192 : i32
      %dma_wait3A_62 = arith.constant 0 : i32
      %dma_wait3A_63 = tpu.memref_slice %arg4[%add3A, %dma_wait3A_61, %dma_wait3A_62] : memref<32x576x256xf32, #tpu.memory_space<hbm>> -> memref<1x96x256xf32, #tpu.memory_space<hbm>>
      %dma_wait3A_64 = tpu.memref_squeeze %dma_wait3A_63 : memref<1x96x256xf32, #tpu.memory_space<hbm>> -> memref<96x256xf32, #tpu.memory_space<hbm>>
      tpu.wait_dma2 semaphore(%run_scoped3A : memref<!tpu.dma_semaphore, #tpu.memory_space<semaphore_mem>>) src(%arg6 : memref<96x256xf32, #tpu.memory_space<vmem>>) dst(%dma_wait3A_64 : memref<96x256xf32, #tpu.memory_space<hbm>>)
      tpu.yield
    }) : () -> ()
    %add3A_25 = arith.constant 288 : i32
    %add3A_26 = arith.addi %mul3A_2, %add3A_25 : i32
    "tpu.region"() ({
      %run_scoped3A = tpu.sem_alloc : memref<!tpu.dma_semaphore, #tpu.memory_space<semaphore_mem>>
      %dma_start3A_49 = tpu.memref_slice %arg3[%add3A_26] : memref<18432xi32, #tpu.memory_space<hbm>> -> memref<96xi32, #tpu.memory_space<hbm>>
      %dma_start3A_50 = tpu.memref_slice %arg3[%add3A_26] : memref<18432xi32, #tpu.memory_space<hbm>> -> memref<96xi32, #tpu.memory_space<hbm>>
      tpu.enqueue_dma source(%dma_start3A_50 : memref<96xi32, #tpu.memory_space<hbm>>) target(%arg5 : memref<96xi32, #tpu.memory_space<vmem>>) target_semaphore(%run_scoped3A : memref<!tpu.dma_semaphore, #tpu.memory_space<semaphore_mem>>)
      %dma_wait3A_51 = tpu.memref_slice %arg3[%add3A_26] : memref<18432xi32, #tpu.memory_space<hbm>> -> memref<96xi32, #tpu.memory_space<hbm>>
      %dma_wait3A_52 = tpu.memref_slice %arg3[%add3A_26] : memref<18432xi32, #tpu.memory_space<hbm>> -> memref<96xi32, #tpu.memory_space<hbm>>
      tpu.wait_dma2 semaphore(%run_scoped3A : memref<!tpu.dma_semaphore, #tpu.memory_space<semaphore_mem>>) src(%dma_wait3A_52 : memref<96xi32, #tpu.memory_space<hbm>>) dst(%arg5 : memref<96xi32, #tpu.memory_space<vmem>>)
      tpu.yield
    }) : () -> ()
    %dma_start3A_27 = arith.constant 0 : i32
    %dma_start3A_28 = arith.constant 0 : i32
    %dma_start3A_29 = tpu.memref_slice %arg2[%dma_start3A_27, %dma_start3A_28] : memref<8192x256xf32, #tpu.memory_space<hbm>> -> memref<8192x256xf32, #tpu.memory_space<hbm>>
    tpu.enqueue_indirect_dma source(%dma_start3A_29 : memref<8192x256xf32, #tpu.memory_space<hbm>>) target(%arg6 : memref<96x256xf32, #tpu.memory_space<vmem>>) offsets(%arg5 : memref<96xi32, #tpu.memory_space<vmem>>) semaphore(%arg7 : memref<!tpu.dma_semaphore, #tpu.memory_space<semaphore_mem>>)
    %dma_wait3A_30 = arith.constant 0 : i32
    %dma_wait3A_31 = arith.constant 0 : i32
    %dma_wait3A_32 = tpu.memref_slice %arg2[%dma_wait3A_30, %dma_wait3A_31] : memref<8192x256xf32, #tpu.memory_space<hbm>> -> memref<8192x256xf32, #tpu.memory_space<hbm>>
    tpu.wait_indirect_dma semaphore(%arg7 : memref<!tpu.dma_semaphore, #tpu.memory_space<semaphore_mem>>) src(%dma_wait3A_32 : memref<8192x256xf32, #tpu.memory_space<hbm>>) dst(%arg6 : memref<96x256xf32, #tpu.memory_space<vmem>>)
    "tpu.region"() ({
      %run_scoped3A = tpu.sem_alloc : memref<!tpu.dma_semaphore, #tpu.memory_space<semaphore_mem>>
      %dma_start3A_49 = arith.constant 288 : i32
      %dma_start3A_50 = arith.constant 0 : i32
      %dma_start3A_51 = tpu.memref_slice %arg4[%add3A, %dma_start3A_49, %dma_start3A_50] : memref<32x576x256xf32, #tpu.memory_space<hbm>> -> memref<1x96x256xf32, #tpu.memory_space<hbm>>
      %dma_start3A_52 = tpu.memref_squeeze %dma_start3A_51 : memref<1x96x256xf32, #tpu.memory_space<hbm>> -> memref<96x256xf32, #tpu.memory_space<hbm>>
      %dma_start3A_53 = arith.constant 288 : i32
      %dma_start3A_54 = arith.constant 0 : i32
      %dma_start3A_55 = tpu.memref_slice %arg4[%add3A, %dma_start3A_53, %dma_start3A_54] : memref<32x576x256xf32, #tpu.memory_space<hbm>> -> memref<1x96x256xf32, #tpu.memory_space<hbm>>
      %dma_start3A_56 = tpu.memref_squeeze %dma_start3A_55 : memref<1x96x256xf32, #tpu.memory_space<hbm>> -> memref<96x256xf32, #tpu.memory_space<hbm>>
      tpu.enqueue_dma source(%arg6 : memref<96x256xf32, #tpu.memory_space<vmem>>) target(%dma_start3A_56 : memref<96x256xf32, #tpu.memory_space<hbm>>) target_semaphore(%run_scoped3A : memref<!tpu.dma_semaphore, #tpu.memory_space<semaphore_mem>>)
      %dma_wait3A_57 = arith.constant 288 : i32
      %dma_wait3A_58 = arith.constant 0 : i32
      %dma_wait3A_59 = tpu.memref_slice %arg4[%add3A, %dma_wait3A_57, %dma_wait3A_58] : memref<32x576x256xf32, #tpu.memory_space<hbm>> -> memref<1x96x256xf32, #tpu.memory_space<hbm>>
      %dma_wait3A_60 = tpu.memref_squeeze %dma_wait3A_59 : memref<1x96x256xf32, #tpu.memory_space<hbm>> -> memref<96x256xf32, #tpu.memory_space<hbm>>
      %dma_wait3A_61 = arith.constant 288 : i32
      %dma_wait3A_62 = arith.constant 0 : i32
      %dma_wait3A_63 = tpu.memref_slice %arg4[%add3A, %dma_wait3A_61, %dma_wait3A_62] : memref<32x576x256xf32, #tpu.memory_space<hbm>> -> memref<1x96x256xf32, #tpu.memory_space<hbm>>
      %dma_wait3A_64 = tpu.memref_squeeze %dma_wait3A_63 : memref<1x96x256xf32, #tpu.memory_space<hbm>> -> memref<96x256xf32, #tpu.memory_space<hbm>>
      tpu.wait_dma2 semaphore(%run_scoped3A : memref<!tpu.dma_semaphore, #tpu.memory_space<semaphore_mem>>) src(%arg6 : memref<96x256xf32, #tpu.memory_space<vmem>>) dst(%dma_wait3A_64 : memref<96x256xf32, #tpu.memory_space<hbm>>)
      tpu.yield
    }) : () -> ()
    %add3A_33 = arith.constant 384 : i32
    %add3A_34 = arith.addi %mul3A_2, %add3A_33 : i32
    "tpu.region"() ({
      %run_scoped3A = tpu.sem_alloc : memref<!tpu.dma_semaphore, #tpu.memory_space<semaphore_mem>>
      %dma_start3A_49 = tpu.memref_slice %arg3[%add3A_34] : memref<18432xi32, #tpu.memory_space<hbm>> -> memref<96xi32, #tpu.memory_space<hbm>>
      %dma_start3A_50 = tpu.memref_slice %arg3[%add3A_34] : memref<18432xi32, #tpu.memory_space<hbm>> -> memref<96xi32, #tpu.memory_space<hbm>>
      tpu.enqueue_dma source(%dma_start3A_50 : memref<96xi32, #tpu.memory_space<hbm>>) target(%arg5 : memref<96xi32, #tpu.memory_space<vmem>>) target_semaphore(%run_scoped3A : memref<!tpu.dma_semaphore, #tpu.memory_space<semaphore_mem>>)
      %dma_wait3A_51 = tpu.memref_slice %arg3[%add3A_34] : memref<18432xi32, #tpu.memory_space<hbm>> -> memref<96xi32, #tpu.memory_space<hbm>>
      %dma_wait3A_52 = tpu.memref_slice %arg3[%add3A_34] : memref<18432xi32, #tpu.memory_space<hbm>> -> memref<96xi32, #tpu.memory_space<hbm>>
      tpu.wait_dma2 semaphore(%run_scoped3A : memref<!tpu.dma_semaphore, #tpu.memory_space<semaphore_mem>>) src(%dma_wait3A_52 : memref<96xi32, #tpu.memory_space<hbm>>) dst(%arg5 : memref<96xi32, #tpu.memory_space<vmem>>)
      tpu.yield
    }) : () -> ()
    %dma_start3A_35 = arith.constant 0 : i32
    %dma_start3A_36 = arith.constant 0 : i32
    %dma_start3A_37 = tpu.memref_slice %arg2[%dma_start3A_35, %dma_start3A_36] : memref<8192x256xf32, #tpu.memory_space<hbm>> -> memref<8192x256xf32, #tpu.memory_space<hbm>>
    tpu.enqueue_indirect_dma source(%dma_start3A_37 : memref<8192x256xf32, #tpu.memory_space<hbm>>) target(%arg6 : memref<96x256xf32, #tpu.memory_space<vmem>>) offsets(%arg5 : memref<96xi32, #tpu.memory_space<vmem>>) semaphore(%arg7 : memref<!tpu.dma_semaphore, #tpu.memory_space<semaphore_mem>>)
    %dma_wait3A_38 = arith.constant 0 : i32
    %dma_wait3A_39 = arith.constant 0 : i32
    %dma_wait3A_40 = tpu.memref_slice %arg2[%dma_wait3A_38, %dma_wait3A_39] : memref<8192x256xf32, #tpu.memory_space<hbm>> -> memref<8192x256xf32, #tpu.memory_space<hbm>>
    tpu.wait_indirect_dma semaphore(%arg7 : memref<!tpu.dma_semaphore, #tpu.memory_space<semaphore_mem>>) src(%dma_wait3A_40 : memref<8192x256xf32, #tpu.memory_space<hbm>>) dst(%arg6 : memref<96x256xf32, #tpu.memory_space<vmem>>)
    "tpu.region"() ({
      %run_scoped3A = tpu.sem_alloc : memref<!tpu.dma_semaphore, #tpu.memory_space<semaphore_mem>>
      %dma_start3A_49 = arith.constant 384 : i32
      %dma_start3A_50 = arith.constant 0 : i32
      %dma_start3A_51 = tpu.memref_slice %arg4[%add3A, %dma_start3A_49, %dma_start3A_50] : memref<32x576x256xf32, #tpu.memory_space<hbm>> -> memref<1x96x256xf32, #tpu.memory_space<hbm>>
      %dma_start3A_52 = tpu.memref_squeeze %dma_start3A_51 : memref<1x96x256xf32, #tpu.memory_space<hbm>> -> memref<96x256xf32, #tpu.memory_space<hbm>>
      %dma_start3A_53 = arith.constant 384 : i32
      %dma_start3A_54 = arith.constant 0 : i32
      %dma_start3A_55 = tpu.memref_slice %arg4[%add3A, %dma_start3A_53, %dma_start3A_54] : memref<32x576x256xf32, #tpu.memory_space<hbm>> -> memref<1x96x256xf32, #tpu.memory_space<hbm>>
      %dma_start3A_56 = tpu.memref_squeeze %dma_start3A_55 : memref<1x96x256xf32, #tpu.memory_space<hbm>> -> memref<96x256xf32, #tpu.memory_space<hbm>>
      tpu.enqueue_dma source(%arg6 : memref<96x256xf32, #tpu.memory_space<vmem>>) target(%dma_start3A_56 : memref<96x256xf32, #tpu.memory_space<hbm>>) target_semaphore(%run_scoped3A : memref<!tpu.dma_semaphore, #tpu.memory_space<semaphore_mem>>)
      %dma_wait3A_57 = arith.constant 384 : i32
      %dma_wait3A_58 = arith.constant 0 : i32
      %dma_wait3A_59 = tpu.memref_slice %arg4[%add3A, %dma_wait3A_57, %dma_wait3A_58] : memref<32x576x256xf32, #tpu.memory_space<hbm>> -> memref<1x96x256xf32, #tpu.memory_space<hbm>>
      %dma_wait3A_60 = tpu.memref_squeeze %dma_wait3A_59 : memref<1x96x256xf32, #tpu.memory_space<hbm>> -> memref<96x256xf32, #tpu.memory_space<hbm>>
      %dma_wait3A_61 = arith.constant 384 : i32
      %dma_wait3A_62 = arith.constant 0 : i32
      %dma_wait3A_63 = tpu.memref_slice %arg4[%add3A, %dma_wait3A_61, %dma_wait3A_62] : memref<32x576x256xf32, #tpu.memory_space<hbm>> -> memref<1x96x256xf32, #tpu.memory_space<hbm>>
      %dma_wait3A_64 = tpu.memref_squeeze %dma_wait3A_63 : memref<1x96x256xf32, #tpu.memory_space<hbm>> -> memref<96x256xf32, #tpu.memory_space<hbm>>
      tpu.wait_dma2 semaphore(%run_scoped3A : memref<!tpu.dma_semaphore, #tpu.memory_space<semaphore_mem>>) src(%arg6 : memref<96x256xf32, #tpu.memory_space<vmem>>) dst(%dma_wait3A_64 : memref<96x256xf32, #tpu.memory_space<hbm>>)
      tpu.yield
    }) : () -> ()
    %add3A_41 = arith.constant 480 : i32
    %add3A_42 = arith.addi %mul3A_2, %add3A_41 : i32
    "tpu.region"() ({
      %run_scoped3A = tpu.sem_alloc : memref<!tpu.dma_semaphore, #tpu.memory_space<semaphore_mem>>
      %dma_start3A_49 = tpu.memref_slice %arg3[%add3A_42] : memref<18432xi32, #tpu.memory_space<hbm>> -> memref<96xi32, #tpu.memory_space<hbm>>
      %dma_start3A_50 = tpu.memref_slice %arg3[%add3A_42] : memref<18432xi32, #tpu.memory_space<hbm>> -> memref<96xi32, #tpu.memory_space<hbm>>
      tpu.enqueue_dma source(%dma_start3A_50 : memref<96xi32, #tpu.memory_space<hbm>>) target(%arg5 : memref<96xi32, #tpu.memory_space<vmem>>) target_semaphore(%run_scoped3A : memref<!tpu.dma_semaphore, #tpu.memory_space<semaphore_mem>>)
      %dma_wait3A_51 = tpu.memref_slice %arg3[%add3A_42] : memref<18432xi32, #tpu.memory_space<hbm>> -> memref<96xi32, #tpu.memory_space<hbm>>
      %dma_wait3A_52 = tpu.memref_slice %arg3[%add3A_42] : memref<18432xi32, #tpu.memory_space<hbm>> -> memref<96xi32, #tpu.memory_space<hbm>>
      tpu.wait_dma2 semaphore(%run_scoped3A : memref<!tpu.dma_semaphore, #tpu.memory_space<semaphore_mem>>) src(%dma_wait3A_52 : memref<96xi32, #tpu.memory_space<hbm>>) dst(%arg5 : memref<96xi32, #tpu.memory_space<vmem>>)
      tpu.yield
    }) : () -> ()
    %dma_start3A_43 = arith.constant 0 : i32
    %dma_start3A_44 = arith.constant 0 : i32
    %dma_start3A_45 = tpu.memref_slice %arg2[%dma_start3A_43, %dma_start3A_44] : memref<8192x256xf32, #tpu.memory_space<hbm>> -> memref<8192x256xf32, #tpu.memory_space<hbm>>
    tpu.enqueue_indirect_dma source(%dma_start3A_45 : memref<8192x256xf32, #tpu.memory_space<hbm>>) target(%arg6 : memref<96x256xf32, #tpu.memory_space<vmem>>) offsets(%arg5 : memref<96xi32, #tpu.memory_space<vmem>>) semaphore(%arg7 : memref<!tpu.dma_semaphore, #tpu.memory_space<semaphore_mem>>)
    %dma_wait3A_46 = arith.constant 0 : i32
    %dma_wait3A_47 = arith.constant 0 : i32
    %dma_wait3A_48 = tpu.memref_slice %arg2[%dma_wait3A_46, %dma_wait3A_47] : memref<8192x256xf32, #tpu.memory_space<hbm>> -> memref<8192x256xf32, #tpu.memory_space<hbm>>
    tpu.wait_indirect_dma semaphore(%arg7 : memref<!tpu.dma_semaphore, #tpu.memory_space<semaphore_mem>>) src(%dma_wait3A_48 : memref<8192x256xf32, #tpu.memory_space<hbm>>) dst(%arg6 : memref<96x256xf32, #tpu.memory_space<vmem>>)
    "tpu.region"() ({
      %run_scoped3A = tpu.sem_alloc : memref<!tpu.dma_semaphore, #tpu.memory_space<semaphore_mem>>
      %dma_start3A_49 = arith.constant 480 : i32
      %dma_start3A_50 = arith.constant 0 : i32
      %dma_start3A_51 = tpu.memref_slice %arg4[%add3A, %dma_start3A_49, %dma_start3A_50] : memref<32x576x256xf32, #tpu.memory_space<hbm>> -> memref<1x96x256xf32, #tpu.memory_space<hbm>>
      %dma_start3A_52 = tpu.memref_squeeze %dma_start3A_51 : memref<1x96x256xf32, #tpu.memory_space<hbm>> -> memref<96x256xf32, #tpu.memory_space<hbm>>
      %dma_start3A_53 = arith.constant 480 : i32
      %dma_start3A_54 = arith.constant 0 : i32
      %dma_start3A_55 = tpu.memref_slice %arg4[%add3A, %dma_start3A_53, %dma_start3A_54] : memref<32x576x256xf32, #tpu.memory_space<hbm>> -> memref<1x96x256xf32, #tpu.memory_space<hbm>>
      %dma_start3A_56 = tpu.memref_squeeze %dma_start3A_55 : memref<1x96x256xf32, #tpu.memory_space<hbm>> -> memref<96x256xf32, #tpu.memory_space<hbm>>
      tpu.enqueue_dma source(%arg6 : memref<96x256xf32, #tpu.memory_space<vmem>>) target(%dma_start3A_56 : memref<96x256xf32, #tpu.memory_space<hbm>>) target_semaphore(%run_scoped3A : memref<!tpu.dma_semaphore, #tpu.memory_space<semaphore_mem>>)
      %dma_wait3A_57 = arith.constant 480 : i32
      %dma_wait3A_58 = arith.constant 0 : i32
      %dma_wait3A_59 = tpu.memref_slice %arg4[%add3A, %dma_wait3A_57, %dma_wait3A_58] : memref<32x576x256xf32, #tpu.memory_space<hbm>> -> memref<1x96x256xf32, #tpu.memory_space<hbm>>
      %dma_wait3A_60 = tpu.memref_squeeze %dma_wait3A_59 : memref<1x96x256xf32, #tpu.memory_space<hbm>> -> memref<96x256xf32, #tpu.memory_space<hbm>>
      %dma_wait3A_61 = arith.constant 480 : i32
      %dma_wait3A_62 = arith.constant 0 : i32
      %dma_wait3A_63 = tpu.memref_slice %arg4[%add3A, %dma_wait3A_61, %dma_wait3A_62] : memref<32x576x256xf32, #tpu.memory_space<hbm>> -> memref<1x96x256xf32, #tpu.memory_space<hbm>>
      %dma_wait3A_64 = tpu.memref_squeeze %dma_wait3A_63 : memref<1x96x256xf32, #tpu.memory_space<hbm>> -> memref<96x256xf32, #tpu.memory_space<hbm>>
      tpu.wait_dma2 semaphore(%run_scoped3A : memref<!tpu.dma_semaphore, #tpu.memory_space<semaphore_mem>>) src(%arg6 : memref<96x256xf32, #tpu.memory_space<vmem>>) dst(%dma_wait3A_64 : memref<96x256xf32, #tpu.memory_space<hbm>>)
      tpu.yield
    }) : () -> ()
    return
  }
}

module attributes {stable_mosaic.version = 14 : i64} {
  func.func @_dist_argmin_body(%arg0: i32, %arg1: memref<256x256xf32, #tpu.memory_space<vmem>>, %arg2: memref<8192x256xbf16, #tpu.memory_space<vmem>>, %arg3: memref<1x8192xf32, #tpu.memory_space<vmem>>, %arg4: memref<256x1xf32, #tpu.memory_space<vmem>>, %arg5: memref<256x1xi32, #tpu.memory_space<vmem>>, %arg6: memref<1x1xf32, #tpu.memory_space<vmem>>, %arg7: memref<64x128xf32, #tpu.memory_space<vmem>>) attributes {dimension_semantics = [#tpu.dimension_semantics<arbitrary>], iteration_bounds = array<i64: 72>, scalar_prefetch = 0 : i64, scratch_operands = 0 : i64, tpu.core_type = #tpu.core_type<tc>, window_params = [{transform_indices = @transform_0, window_bounds = array<i64: 256, 256>}, {pipeline_mode = #tpu.pipeline_mode<synchronous>, transform_indices = @transform_1, window_bounds = array<i64: 8192, 256>}, {pipeline_mode = #tpu.pipeline_mode<synchronous>, transform_indices = @transform_2, window_bounds = array<i64: 1, 8192>}, {transform_indices = @transform_3, window_bounds = array<i64: 256, 1>}, {transform_indices = @transform_4, window_bounds = array<i64: 256, 1>}, {pipeline_mode = #tpu.pipeline_mode<synchronous>, transform_indices = @transform_5, window_bounds = array<i64: 1, 1>}, {pipeline_mode = #tpu.pipeline_mode<synchronous>, transform_indices = @transform_6, window_bounds = array<i64: 64, 128>}]} {
    %get3A = arith.constant 0 : index
    %get3A_0 = arith.constant 0 : index
    %get3A_1 = vector.load %arg1[%get3A, %get3A_0] : memref<256x256xf32, #tpu.memory_space<vmem>>, vector<256x256xf32>
    %get3A_2 = arith.constant 0 : index
    %get3A_3 = arith.constant 0 : index
    %get3A_4 = vector.load %arg4[%get3A_2, %get3A_3] : memref<256x1xf32, #tpu.memory_space<vmem>>, vector<256x1xf32>
    %convert_element_type3A = arith.truncf %get3A_1 : vector<256x256xf32> to vector<256x256xbf16>
    %get3A_5 = arith.constant 0 : index
    %get3A_6 = arith.constant 0 : index
    %get3A_7 = vector.load %arg2[%get3A_5, %get3A_6] : memref<8192x256xbf16, #tpu.memory_space<vmem>>, vector<8192x256xbf16>
    %dot_general3A = arith.constant dense<0.000000e+00> : vector<256x8192xf32>
    %dot_general3A_8 = tpu.matmul %convert_element_type3A, %get3A_7, %dot_general3A {dimension_numbers = #tpu.dot_dimension_numbers<[1], [1], [0], [0], [0, 0, 1, 0], [], []>, transpose_lhs_hint = false} : vector<256x256xbf16>, vector<8192x256xbf16>, vector<256x8192xf32> -> vector<256x8192xf32>
    %mul3A = arith.constant 2.000000e+00 : f32
    %mul3A_9 = vector.broadcast %mul3A : f32 to vector<256x8192xf32>
    %mul3A_10 = arith.mulf %mul3A_9, %dot_general3A_8 : vector<256x8192xf32>
    %sub3A = vector.broadcast %get3A_4 : vector<256x1xf32> to vector<256x8192xf32>
    %sub3A_11 = arith.subf %sub3A, %mul3A_10 : vector<256x8192xf32>
    %get3A_12 = arith.constant 0 : index
    %get3A_13 = arith.constant 0 : index
    %get3A_14 = vector.load %arg3[%get3A_12, %get3A_13] : memref<1x8192xf32, #tpu.memory_space<vmem>>, vector<1x8192xf32>
    %add3A = vector.broadcast %get3A_14 : vector<1x8192xf32> to vector<256x8192xf32>
    %add3A_15 = arith.addf %sub3A_11, %add3A : vector<256x8192xf32>
    %max3A = arith.constant 0.000000e+00 : f32
    %max3A_16 = vector.broadcast %max3A : f32 to vector<256x8192xf32>
    %max3A_17 = arith.maximumf %add3A_15, %max3A_16 : vector<256x8192xf32>
    %sqrt3A = math.sqrt %max3A_17 : vector<256x8192xf32>
    %reduce_min3A = arith.constant dense<0x7F800000> : vector<256xf32>
    %reduce_min3A_18 = vector.multi_reduction <minimumf>, %sqrt3A, %reduce_min3A [1] : vector<256x8192xf32> to vector<256xf32>
    %broadcast_in_dim3A = vector.shape_cast %reduce_min3A_18 : vector<256xf32> to vector<256x1xf32>
    %iota3A = tpu.iota {dimensions = array<i32: 1>} : vector<256x8192xi32>
    %eq3A = vector.broadcast %broadcast_in_dim3A : vector<256x1xf32> to vector<256x8192xf32>
    %eq3A_19 = arith.cmpf oeq, %sqrt3A, %eq3A : vector<256x8192xf32>
    %jit3A = arith.constant 8192 : i32
    %broadcast_in_dim3A_20 = vector.broadcast %jit3A : i32 to vector<256x8192xi32>
    %select_n3A = arith.select %eq3A_19, %iota3A, %broadcast_in_dim3A_20 : vector<256x8192xi1>, vector<256x8192xi32>
    %reduce_min3A_21 = arith.constant dense<2147483647> : vector<256xi32>
    %reduce_min3A_22 = vector.multi_reduction <minsi>, %select_n3A, %reduce_min3A_21 [1] : vector<256x8192xi32> to vector<256xi32>
    %broadcast_in_dim3A_23 = vector.shape_cast %reduce_min3A_22 : vector<256xi32> to vector<256x1xi32>
    %swap3A = arith.constant 0 : index
    %swap3A_24 = arith.constant 0 : index
    %swap3A_25 = vector.load %arg5[%swap3A, %swap3A_24] : memref<256x1xi32, #tpu.memory_space<vmem>>, vector<256x1xi32>
    tpu.vector_store %arg5[%swap3A, %swap3A_24], %broadcast_in_dim3A_23 {strides = array<i32>} : memref<256x1xi32, #tpu.memory_space<vmem>>, vector<256x1xi32>,
    %mul3A_26 = arith.mulf %broadcast_in_dim3A, %broadcast_in_dim3A : vector<256x1xf32>
    %reduce_sum3A = vector.shape_cast %mul3A_26 : vector<256x1xf32> to vector<1x256x1xf32>
    %reduce_sum3A_27 = arith.constant dense<0.000000e+00> : vector<1xf32>
    %reduce_sum3A_28 = vector.multi_reduction <add>, %reduce_sum3A, %reduce_sum3A_27 [1, 2] : vector<1x256x1xf32> to vector<1xf32>
    %reduce_sum3A_29 = vector.shape_cast %reduce_sum3A_28 : vector<1xf32> to vector<1x1x1xf32>
    %reduce_sum3A_30 = vector.extract %reduce_sum3A_29[0, 0, 0] : f32 from vector<1x1x1xf32>
    %shift_right_logical3A = arith.constant 7 : i32
    %shift_right_logical3A_31 = vector.broadcast %shift_right_logical3A : i32 to vector<256xi32>
    %shift_right_logical3A_32 = arith.shrui %reduce_min3A_22, %shift_right_logical3A_31 : vector<256xi32>
    %broadcast_in_dim3A_33 = vector.shape_cast %shift_right_logical3A_32 : vector<256xi32> to vector<256x1xi32>
    %and3A = arith.constant 127 : i32
    %and3A_34 = vector.broadcast %and3A : i32 to vector<256xi32>
    %and3A_35 = arith.andi %reduce_min3A_22, %and3A_34 : vector<256xi32>
    %broadcast_in_dim3A_36 = vector.shape_cast %and3A_35 : vector<256xi32> to vector<256x1xi32>
    %iota3A_37 = tpu.iota {dimensions = array<i32: 1>} : vector<256x64xi32>
    %iota3A_38 = tpu.iota {dimensions = array<i32: 1>} : vector<256x128xi32>
    %eq3A_39 = vector.broadcast %broadcast_in_dim3A_33 : vector<256x1xi32> to vector<256x64xi32>
    %eq3A_40 = arith.cmpi eq, %iota3A_37, %eq3A_39 : vector<256x64xi32>
    %jit3A_41 = arith.constant 1.000000e+00 : f32
    %jit3A_42 = arith.constant 0.000000e+00 : f32
    %broadcast_in_dim3A_43 = vector.broadcast %jit3A_41 : f32 to vector<256x64xf32>
    %broadcast_in_dim3A_44 = vector.broadcast %jit3A_42 : f32 to vector<256x64xf32>
    %select_n3A_45 = arith.select %eq3A_40, %broadcast_in_dim3A_43, %broadcast_in_dim3A_44 : vector<256x64xi1>, vector<256x64xf32>
    %convert_element_type3A_46 = arith.truncf %select_n3A_45 : vector<256x64xf32> to vector<256x64xbf16>
    %eq3A_47 = vector.broadcast %broadcast_in_dim3A_36 : vector<256x1xi32> to vector<256x128xi32>
    %eq3A_48 = arith.cmpi eq, %iota3A_38, %eq3A_47 : vector<256x128xi32>
    %jit3A_49 = arith.constant 1.000000e+00 : f32
    %jit3A_50 = arith.constant 0.000000e+00 : f32
    %broadcast_in_dim3A_51 = vector.broadcast %jit3A_49 : f32 to vector<256x128xf32>
    %broadcast_in_dim3A_52 = vector.broadcast %jit3A_50 : f32 to vector<256x128xf32>
    %select_n3A_53 = arith.select %eq3A_48, %broadcast_in_dim3A_51, %broadcast_in_dim3A_52 : vector<256x128xi1>, vector<256x128xf32>
    %convert_element_type3A_54 = arith.truncf %select_n3A_53 : vector<256x128xf32> to vector<256x128xbf16>
    %dot_general3A_55 = arith.constant dense<0.000000e+00> : vector<64x128xf32>
    %dot_general3A_56 = tpu.matmul %convert_element_type3A_46, %convert_element_type3A_54, %dot_general3A_55 {dimension_numbers = #tpu.dot_dimension_numbers<[0], [0], [1], [1], [0, 1, 1, 1], [], []>, transpose_lhs_hint = false} : vector<256x64xbf16>, vector<256x128xbf16>, vector<64x128xf32> -> vector<64x128xf32>
    %eq3A_57 = arith.constant 0 : i32
    %eq3A_58 = arith.cmpi eq, %arg0, %eq3A_57 : i32
    %convert_element_type3A_59 = arith.extui %eq3A_58 : i1 to i32
    %cond3A = arith.constant 0 : i32
    %cond3A_60 = arith.cmpi ne, %convert_element_type3A_59, %cond3A : i32
    scf.if %cond3A_60 {
      %reshape3A = vector.broadcast %reduce_sum3A_30 : f32 to vector<1x1xf32>
      %swap3A_65 = arith.constant 0 : index
      %swap3A_66 = arith.constant 0 : index
      %swap3A_67 = vector.load %arg6[%swap3A_65, %swap3A_66] : memref<1x1xf32, #tpu.memory_space<vmem>>, vector<1x1xf32>
      tpu.vector_store %arg6[%swap3A_65, %swap3A_66], %reshape3A {strides = array<i32>} : memref<1x1xf32, #tpu.memory_space<vmem>>, vector<1x1xf32>,
      %swap3A_68 = arith.constant 0 : index
      %swap3A_69 = arith.constant 0 : index
      %swap3A_70 = vector.load %arg7[%swap3A_68, %swap3A_69] : memref<64x128xf32, #tpu.memory_space<vmem>>, vector<64x128xf32>
      tpu.vector_store %arg7[%swap3A_68, %swap3A_69], %dot_general3A_56 {strides = array<i32>} : memref<64x128xf32, #tpu.memory_space<vmem>>, vector<64x128xf32>,
    } else {
    }
    %ne3A = arith.constant 0 : i32
    %ne3A_61 = arith.cmpi ne, %arg0, %ne3A : i32
    %convert_element_type3A_62 = arith.extui %ne3A_61 : i1 to i32
    %cond3A_63 = arith.constant 0 : i32
    %cond3A_64 = arith.cmpi ne, %convert_element_type3A_62, %cond3A_63 : i32
    scf.if %cond3A_64 {
      %get3A_65 = arith.constant 0 : index
      %get3A_66 = arith.constant 0 : index
      %get3A_67 = vector.load %arg6[%get3A_65, %get3A_66] : memref<1x1xf32, #tpu.memory_space<vmem>>, vector<1x1xf32>
      %reshape3A = vector.broadcast %reduce_sum3A_30 : f32 to vector<1x1xf32>
      %add3A_68 = arith.addf %get3A_67, %reshape3A : vector<1x1xf32>
      %swap3A_69 = arith.constant 0 : index
      %swap3A_70 = arith.constant 0 : index
      %swap3A_71 = vector.load %arg6[%swap3A_69, %swap3A_70] : memref<1x1xf32, #tpu.memory_space<vmem>>, vector<1x1xf32>
      tpu.vector_store %arg6[%swap3A_69, %swap3A_70], %add3A_68 {strides = array<i32>} : memref<1x1xf32, #tpu.memory_space<vmem>>, vector<1x1xf32>,
      %get3A_72 = arith.constant 0 : index
      %get3A_73 = arith.constant 0 : index
      %get3A_74 = vector.load %arg7[%get3A_72, %get3A_73] : memref<64x128xf32, #tpu.memory_space<vmem>>, vector<64x128xf32>
      %add3A_75 = arith.addf %get3A_74, %dot_general3A_56 : vector<64x128xf32>
      %swap3A_76 = arith.constant 0 : index
      %swap3A_77 = arith.constant 0 : index
      %swap3A_78 = vector.load %arg7[%swap3A_76, %swap3A_77] : memref<64x128xf32, #tpu.memory_space<vmem>>, vector<64x128xf32>
      tpu.vector_store %arg7[%swap3A_76, %swap3A_77], %add3A_75 {strides = array<i32>} : memref<64x128xf32, #tpu.memory_space<vmem>>, vector<64x128xf32>,
    } else {
    }
    return
  }
  func.func @transform_0(%arg0: i32) -> (i32, i32) {
    %c0_i32 = arith.constant 0 : i32
    %c0_i32_0 = arith.constant 0 : i32
    return %arg0, %c0_i32 : i32, i32
  }
  func.func @transform_1(%arg0: i32) -> (i32, i32) {
    %c0_i32 = arith.constant 0 : i32
    %c0_i32_0 = arith.constant 0 : i32
    %c0_i32_1 = arith.constant 0 : i32
    return %c0_i32, %c0_i32_0 : i32, i32
  }
  func.func @transform_2(%arg0: i32) -> (i32, i32) {
    %c0_i32 = arith.constant 0 : i32
    %c0_i32_0 = arith.constant 0 : i32
    %c0_i32_1 = arith.constant 0 : i32
    return %c0_i32, %c0_i32_0 : i32, i32
  }
  func.func @transform_3(%arg0: i32) -> (i32, i32) {
    %c0_i32 = arith.constant 0 : i32
    %c0_i32_0 = arith.constant 0 : i32
    return %arg0, %c0_i32 : i32, i32
  }
  func.func @transform_4(%arg0: i32) -> (i32, i32) {
    %c0_i32 = arith.constant 0 : i32
    %c0_i32_0 = arith.constant 0 : i32
    return %arg0, %c0_i32 : i32, i32
  }
  func.func @transform_5(%arg0: i32) -> (i32, i32) {
    %c0_i32 = arith.constant 0 : i32
    %c0_i32_0 = arith.constant 0 : i32
    %c0_i32_1 = arith.constant 0 : i32
    return %c0_i32, %c0_i32_0 : i32, i32
  }
  func.func @transform_6(%arg0: i32) -> (i32, i32) {
    %c0_i32 = arith.constant 0 : i32
    %c0_i32_0 = arith.constant 0 : i32
    %c0_i32_1 = arith.constant 0 : i32
    return %c0_i32, %c0_i32_0 : i32, i32
  }
}

module attributes {stable_mosaic.version = 14 : i64} {
  func.func @_finalize_body(%arg0: memref<64x128xf32, #tpu.memory_space<vmem>>, %arg1: memref<1x1xf32, #tpu.memory_space<vmem>>, %arg2: memref<1x1xf32, #tpu.memory_space<vmem>>, %arg3: memref<1x1xf32, #tpu.memory_space<vmem>>) attributes {dimension_semantics = [], scalar_prefetch = 0 : i64, scratch_operands = 0 : i64, tpu.core_type = #tpu.core_type<tc>} {
    %get3A = arith.constant 0 : index
    %get3A_0 = arith.constant 0 : index
    %get3A_1 = vector.load %arg0[%get3A, %get3A_0] : memref<64x128xf32, #tpu.memory_space<vmem>>, vector<64x128xf32>
    %div3A = arith.constant 1.843200e+04 : f32
    %div3A_2 = vector.broadcast %div3A : f32 to vector<64x128xf32>
    %div3A_3 = arith.divf %get3A_1, %div3A_2 : vector<64x128xf32>
    %add3A = arith.constant 1.000000e-10 : f32
    %add3A_4 = vector.broadcast %add3A : f32 to vector<64x128xf32>
    %add3A_5 = arith.addf %div3A_3, %add3A_4 : vector<64x128xf32>
    %log3A = math.log %add3A_5 : vector<64x128xf32>
    %mul3A = arith.mulf %div3A_3, %log3A : vector<64x128xf32>
    %reduce_sum3A = vector.shape_cast %mul3A : vector<64x128xf32> to vector<1x64x128xf32>
    %reduce_sum3A_6 = arith.constant dense<0.000000e+00> : vector<1xf32>
    %reduce_sum3A_7 = vector.multi_reduction <add>, %reduce_sum3A, %reduce_sum3A_6 [1, 2] : vector<1x64x128xf32> to vector<1xf32>
    %reduce_sum3A_8 = vector.shape_cast %reduce_sum3A_7 : vector<1xf32> to vector<1x1x1xf32>
    %reduce_sum3A_9 = vector.extract %reduce_sum3A_8[0, 0, 0] : f32 from vector<1x1x1xf32>
    %neg3A = arith.constant 0.000000e+00 : f32
    %neg3A_10 = arith.subf %neg3A, %reduce_sum3A_9 : f32
    %exp3A = math.exp %neg3A_10 : f32
    %reshape3A = vector.broadcast %exp3A : f32 to vector<1x1xf32>
    %swap3A = arith.constant 0 : index
    %swap3A_11 = arith.constant 0 : index
    %swap3A_12 = vector.load %arg3[%swap3A, %swap3A_11] : memref<1x1xf32, #tpu.memory_space<vmem>>, vector<1x1xf32>
    tpu.vector_store %arg3[%swap3A, %swap3A_11], %reshape3A {strides = array<i32>} : memref<1x1xf32, #tpu.memory_space<vmem>>, vector<1x1xf32>,
    %get3A_13 = arith.constant 0 : index
    %get3A_14 = arith.constant 0 : index
    %get3A_15 = vector.load %arg1[%get3A_13, %get3A_14] : memref<1x1xf32, #tpu.memory_space<vmem>>, vector<1x1xf32>
    %div3A_16 = arith.constant 0x4A900000 : f32
    %div3A_17 = vector.broadcast %div3A_16 : f32 to vector<1x1xf32>
    %div3A_18 = arith.divf %get3A_15, %div3A_17 : vector<1x1xf32>
    %mul3A_19 = arith.constant 2.500000e-01 : f32
    %mul3A_20 = vector.broadcast %mul3A_19 : f32 to vector<1x1xf32>
    %mul3A_21 = arith.mulf %mul3A_20, %div3A_18 : vector<1x1xf32>
    %add3A_22 = arith.addf %div3A_18, %mul3A_21 : vector<1x1xf32>
    %swap3A_23 = arith.constant 0 : index
    %swap3A_24 = arith.constant 0 : index
    %swap3A_25 = vector.load %arg2[%swap3A_23, %swap3A_24] : memref<1x1xf32, #tpu.memory_space<vmem>>, vector<1x1xf32>
    tpu.vector_store %arg2[%swap3A_23, %swap3A_24], %add3A_22 {strides = array<i32>} : memref<1x1xf32, #tpu.memory_space<vmem>>, vector<1x1xf32>,
    return
  }
}

</mosaic_0001>

<sc_bundles>
// kernel: kernel.5.cloned.1.call-start
scs
__scs_entry_jumppad:
0x0: {  	(pc) =	sbr.rel $0x88, $3  }
0x1: {  	(tag) =	ssettag $0x0;
	lr =	simm.s32 $0x1  }
0x2: {  	[smem:$0x3F9F] =	sst lr;
	_ =	strace $0xD0000000  }
0x3: {  	_ = 	snop  }
0x4: {  	_ = 	snop  }
0x5: {  	_ = 	snop  }
0x6: {  	_ = 	snop  }
0x7: {  	_ = 	snop  }
__scs_overlays_trampoline_lowered:
0x8: {  	[smem:$0x3FAE] =	sst s0  }
0x9: {  	[smem:$0x3FAF] =	sst s1  }
0xa: {  	[smem:$0x3FB0] =	sst s2  }
0xb: {  	[smem:$0x3FB1] =	sst s3  }
0xc: {  	[smem:$0x3FB2] =	sst s4  }
0xd: {  	[smem:$0x3FB3] =	sst s5  }
0xe: {  	[smem:$0x3FB4] =	sst s6  }
0xf: {  	[smem:$0x3FB5] =	sst s7  }
0x10: {  	[smem:$0x3FB6] =	sst s8  }
0x11: {  	[smem:$0x3FB7] =	sst s9;
	s0 =	simm.s32 @!p0 $0x0  }
0x12: {  	s1 =	sld [smem:$0x3F9D];
	s0 =	simm.s32 @p0 $0x1  }
0x13: {  	[smem:$0x3FB8] =	sst s0;
	s0 =	simm.s32 @!p1 $0x0  }
0x14: {  	s2 =	sld [smem:$0x3F9C];
	s0 =	simm.s32 @p1 $0x1  }
0x15: {  	[smem:$0x3FB9] =	sst s0;
	s0 =	simm.s32 @!p2 $0x0  }
0x16: {  	s3 =	sld [smem:$0x3FDB];
	s0 =	simm.s32 @p2 $0x1  }
0x17: {  	s4 =	simm.s32 $0x1BF5;
	[smem:$0x3FBB] =	sst s0  }
0x18: {  	s0 =	sld [smem:$0x3F9E];
	_ =	swait.ge [sflag:s4], $0x0  }
0x19: {  	s7 =	sld [smem:$0x3F9F]  }
0x1a: {  	s8 =	sadd.s32 $0xFFFFE003, lr  }
0x1b: {  	s9 =	sadd.s32 $0xFFFFFEF7, lr;
	s5 =	simm.s32 $0xFFFFFFFF;
	p2 =	slt.u32 s8, $0xFFFFF086  }
0x1c: {  	p1 =	slt.u32 s9, $0xF7A;
	s5 =	simm.s32 @!p2 $0x0  }
0x1d: {  	s5 =	simm.s32 @p1 $0x1;
	p0 =	seq.s32 s7, s2  }
0x1e: {  	s7 =	smul.u32 @!p0 $0xF7A, s2;
	p2 =	seq.s32 @!p0 s5, $0x0  }
0x1f: {  	s9 =	smul.u32 $0xF7A, s1;
	s8 =	simm.s32 @!p0 $0x1BF5;
	p2 =	por !p2, p0  }
0x20: {  	[sflag:s8] =	ssyncset.s32 @!p0 $0xFFFFF086;
	s6 =	sadd.s32 @!p0 s3, s7;
	s7 =	simm.s32 @!p0 $0x108  }
0x21: {  	s3 =	sadd.s32 s3, s9;
	s6 =	sadd.s32 @!p0 $0x88, s6;
	s7 =	simm.s32 @p2 $0x1082  }
0x22: {  	[simem:s7], [sflag:s8] =	dma.local @!p0 [hbm:s6], $0xF7A  }
0x23: {  	s9 =	sor.u32 $0xD0000000, s2;
	s6 =	simm.s32 $0x108;
	_ =	swait.ge @!p0 [sflag:s8], $0x0  }
0x24: {  	s3 =	sadd.s32 $0x88, s3;
	s6 =	simm.s32 @!p1 $0x1082;
	[sflag:s4] =	ssyncset.s32 $0xFFFFF086  }
0x25: {  	[simem:s6], [sflag:s4] =	dma.local [hbm:s3], $0xF7A  }
0x26: {  	[smem:$0x3F9F] =	sst s1;
	(tag) =	ssettag s2;
	_ =	strace s9  }
0x27: {  	s1 =	sld [smem:$0x3FAF]  }
0x28: {  	s2 =	sld [smem:$0x3FB0]  }
0x29: {  	s4 =	sld [smem:$0x3FB2]  }
0x2a: {  	p0 =	seq.s32 s5, $0x0;
	s5 =	sld [smem:$0x3FB3]  }
0x2b: {  	s6 =	sld [smem:$0x3FB4]  }
0x2c: {  	s7 =	sld [smem:$0x3FB5]  }
0x2d: {  	s3 =	simm.s32 $0x108;
	s8 =	sld [smem:$0x3FB6]  }
0x2e: {  	s3 =	simm.s32 @!p0 $0x1082;
	s9 =	sld [smem:$0x3FB7]  }
0x2f: {  	lr =	sadd.s32 s0, s3;
	s0 =	sld [smem:$0x3FAE]  }
0x30: {  	s3 =	sld [smem:$0x3FB1]  }
0x31: {  	[smem:$0x3FBA] =	sst s10  }
0x32: {  	s10 =	sld [smem:$0x3FB8];
	_ =	sdelay $0x3  }
0x33: {  	p0 =	seq.s32 s10, $0x1;
	s10 =	sld [smem:$0x3FBA];
	_ =	sdelay $0x3  }
0x34: {  	[smem:$0x3FBA] =	sst s10  }
0x35: {  	s10 =	sld [smem:$0x3FB9];
	_ =	sdelay $0x3  }
0x36: {  	p1 =	seq.s32 s10, $0x1;
	s10 =	sld [smem:$0x3FBA];
	_ =	sdelay $0x3  }
0x37: {  	[smem:$0x3FBA] =	sst s10  }
0x38: {  	s10 =	sld [smem:$0x3FBB]  }
0x39: {  	_ = 	snop;
	(pc) =	sbr.ind lr, $3  }
0x3a: {  	_ = 	snop  }
0x3b: {  	_ = 	snop  }
0x3c: {  	p2 =	seq.s32 s10, $0x1;
	s10 =	sld [smem:$0x3FBA]  }
0x3d: {  	_ =	shalt  }
0x3e: {  	_ =	shalt  }
0x3f: {  	_ =	shalt  }
0x40: {  	_ =	shalt  }
0x41: {  	_ =	shalt  }
0x42: {  	_ =	shalt  }
0x43: {  	_ =	shalt  }
0x44: {  	_ =	shalt  }
0x45: {  	_ =	shalt  }
0x46: {  	_ =	shalt  }
0x47: {  	_ =	shalt  }
0x48: {  	_ =	shalt  }
0x49: {  	_ =	shalt  }
0x4a: {  	_ =	shalt  }
0x4b: {  	_ =	shalt  }
0x4c: {  	_ =	shalt  }
0x4d: {  	_ =	shalt  }
0x4e: {  	_ =	shalt  }
0x4f: {  	_ =	shalt  }
0x50: {  	_ =	shalt  }
0x51: {  	_ =	shalt  }
0x52: {  	_ =	shalt  }
0x53: {  	_ =	shalt  }
0x54: {  	_ =	shalt  }
0x55: {  	_ =	shalt  }
0x56: {  	_ =	shalt  }
0x57: {  	_ =	shalt  }
0x58: {  	_ =	shalt  }
0x59: {  	_ =	shalt  }
0x5a: {  	_ =	shalt  }
0x5b: {  	_ =	shalt  }
0x5c: {  	_ =	shalt  }
0x5d: {  	_ =	shalt  }
0x5e: {  	_ =	shalt  }
0x5f: {  	_ =	shalt  }
0x60: {  	_ =	shalt  }
0x61: {  	_ =	shalt  }
0x62: {  	_ =	shalt  }
0x63: {  	_ =	shalt  }
0x64: {  	_ =	shalt  }
0x65: {  	_ =	shalt  }
0x66: {  	_ =	shalt  }
0x67: {  	_ =	shalt  }
0x68: {  	_ =	shalt  }
0x69: {  	_ =	shalt  }
0x6a: {  	_ =	shalt  }
0x6b: {  	_ =	shalt  }
0x6c: {  	_ =	shalt  }
0x6d: {  	_ =	shalt  }
0x6e: {  	_ =	shalt  }
0x6f: {  	_ =	shalt  }
0x70: {  	_ =	shalt  }
0x71: {  	_ =	shalt  }
0x72: {  	_ =	shalt  }
0x73: {  	_ =	shalt  }
0x74: {  	_ =	shalt  }
0x75: {  	_ =	shalt  }
0x76: {  	_ =	shalt  }
0x77: {  	_ =	shalt  }
0x78: {  	_ =	shalt  }
0x79: {  	_ =	shalt  }
0x7a: {  	_ =	shalt  }
0x7b: {  	_ =	shalt  }
0x7c: {  	_ =	shalt  }
0x7d: {  	_ =	shalt  }
0x7e: {  	_ =	shalt  }
0x7f: {  	_ =	shalt  }
0x80: {  	_ =	shalt  }
0x81: {  	_ =	shalt  }
0x82: {  	_ =	shalt  }
0x83: {  	_ =	shalt  }
0x84: {  	_ =	shalt  }
0x85: {  	_ =	shalt  }
0x86: {  	_ =	shalt  }
0x87: {  	_ =	shalt  }
.Lfunc_end0:
.L_simem_size_0:
called_computation_lowered:
.L_overlay_start_0:
0x88: {  	s2 =	sld [smem:$0x3FD9]  }
0x89: {  	s3 =	sld [smem:$0x3FFE];
	_ =	sdelay $0x1  }
0x8a: {  	s1 =	srdreg.scid  }
0x8b: {  	s0 =	sand.u32 $0x1, s1  }
0x8c: {  	s15 =	sshll.u32 s0, $0xA;
	s2 =	sadd.s32 s3, s2  }
0x8d: {  	s2 =	sadd.s32 s2, s15  }
0x8e: {  	[smem:$0x3FC6] =	sst s2  }
0x8f: {  	_ = 	snop  }
0x90: {  	s2 =	sld [smem:$0x3FD0];
	_ =	sdelay $0x2  }
0x91: {  	s4 =	simm.s32 $0xA;
	s5 =	simm.s32 $0x10;
	s16 =	sld [smem:$0x3FC8]  }
0x92: {  	[smem:s5], [sflag:s4] =	dma.local [hbm:s2], $0x1  }
0x93: {  	_ =	swait.eq [sflag:s4], $0x1  }
0x94: {  	[sflag:s4] =	ssyncset.done $0x0  }
0x95: {  	s17 =	sld [smem:$0x10];
	[sflag:s4] =	ssyncadd.s32 $0xFFFFFFFF  }
0x96: {  	s18 =	sld [smem:$0x13];
	(tm) =	ssettm $0x1  }
0x97: {  	s19 =	sld [smem:$0x3FFB];
	_ =	sdelay $0x3  }
0x98: {  	_ =	strace s19  }
0x99: {  	s5 =	sld [smem:$0x3FFC];
	_ =	sdelay $0x3  }
0x9a: {  	_ =	strace s5  }
0x9b: {  	s5 =	sld [smem:$0x3FFD];
	_ =	sdelay $0x3  }
0x9c: {  	_ =	strace s5  }
0x9d: {  	_ =	strace $0x8FFFFFFF  }
0x9e: {  	s20 =	sld [smem:$0x3FDB];
	_ =	sdelay $0x1  }
0x9f: {  	s6 =	simm.s32 $_scs_section_size  }
0xa0: {  	s7 =	simm.s32 $_size__tile_overlayer_lowered;
	s8 =	simm.s32 $_tile_overlayer_lowered  }
0xa1: {  	s23 =	simm.s32 $0x1BFF;
	s22 =	sshll.u32 s8, $0x1;
	s5 =	sadd.s32 s6, s20  }
0xa2: {  	s9 =	simm.s32 $0x0;
	s21 =	sshll.u32 s7, $0x1;
	s7 =	sadd.s32 s22, s5  }
0xa3: {  	[timem:s9], [sflag:s23] =	dma.local [hbm:s7], s21  }
0xa4: {  	_ =	swait.ge [sflag:s23], s21  }
0xa5: {  	s6 =	ssub.s32 $0x0, s21;
	[sflag:s23] =	ssyncset.done $0x0  }
0xa6: {  	[sflag:s23] =	ssyncadd.s32 s6;
	_ =	sdelay $0x1  }
0xa7: {  	s24 =	simm.s32 $0x1B8B  }
0xa8: {  	_ =	swait.ge [sflag:s24], $0x1  }
0xa9: {  	[sflag:s24] =	ssyncset.done $0x0  }
0xaa: {  	s25 =	simm.s32 $0x1B8E;
	[sflag:s24] =	ssyncadd.s32 $0xFFFFFFFF  }
0xab: {  	s26 =	simm.s32 $execute0_lowered;
	[smem:$0x3FD2] =	sst s25  }
0xac: {  	s6 =	sshll.u32 s26, $0x1;
	_ =	strace $0x80000046;
	[dreg:$0x1] =	wrdreg $0xFFFFFFFF  }
0xad: {  	s28 =	simm.s32 $_size_execute0_lowered;
	s5 =	sadd.s32 s5, s6;
	[dreg:$0x0] =	wrdreg $0x0  }
0xae: {  	s6 =	sshll.u32 s28, $0x1;
	[dreg:$0x2] =	wrdreg s5  }
0xaf: {  	[dreg:$0x3] =	wrdreg s6  }
0xb0: {  	[dreg:$0x4] =	wrdreg $0xC0  }
0xb1: {  	_ =	task [dreg:s9], $0x5FFFF  }
0xb2: {  	[dreg:$0x1] =	wrdreg $0xFFFFFFFF  }
0xb3: {  	[dreg:$0x0] =	wrdreg $0x60  }
0xb4: {  	[dreg:$0x2] =	wrdreg s16  }
0xb5: {  	[dreg:$0x3] =	wrdreg s18  }
0xb6: {  	[dreg:$0x4] =	wrdreg s17  }
0xb7: {  	[dreg:$0x5] =	wrdreg $0x9  }
0xb8: {  	_ =	task.clear_ibuf [dreg:s9], $0x6FFFF;
	_ =	strace $0x90000046  }
0xb9: {  	s29 =	simm.s32 $0x9;
	_ =	strace $0x80000048  }
0xba: {  	_ =	swait.ge [sflag:s29], $0x1  }
0xbb: {  	[sflag:s29] =	ssyncadd.s32 $0xFFFFFFFF  }
0xbc: {  	_ =	strace $0x90000048  }
0xbd: {  	_ =	sfence  }
0xbe: {  	s30 =	sld [smem:$0x0];
	_ =	sdelay $0x2  }
0xbf: {  	s31 =	sshll.u32 s1, $0xD;
	s1 =	sshrl.u32 s1, $0x2  }
0xc0: {  	s3 =	sand.u32 $0x4000, s31;
	s1 =	sadd.s32 s1, s30  }
0xc1: {  	s0 =	sor.u32 s3, s0;
	s1 =	sshll.u32 s1, $0x11  }
0xc2: {  	s0 =	sor.u32 s1, s0  }
0xc3: {  	s0 =	sadd.s32 $0x8F2B, s0  }
0xc4: {  	[sflag:s0] =	ssyncadd.remote.s32 $0x1  }
0xc5: {  	_ =	sfence.sel $0xFFFF  }
0xc6: {  	[dreg:$0x0] =	wrdreg $0xFFFFFFFF;
	(pc) =	sbr.abs _section_cstart, $3  }
0xc7: {  	[dreg:$0x1] =	wrdreg $0xFFFFFFFF  }
0xc8: {  	_ =	task.clear_ibuf [dreg:s9], $0x2FFFF;
	_ =	strace $0x9FFFFFFF  }
0xc9: {  	(tm) =	ssettm $0x7FFFFFFF  }
tec
execute0_lowered:
.L_overlay_start_1:
0x0: {  	(tag) =	ssettag $0x1  }
0x1: {  	s1 =	rddreg [dreg:$0x0];
	s2 =	srdreg.scid  }
0x2: {  	s0 =	stileid.u32;
	s4 =	rddreg [dreg:$0x1]  }
0x3: {  	s6 =	rddreg [dreg:$0x2];
	s3 =	simm.s32 $0x0;
	s17 =	simm.s32 $0x2  }
0x4: {  	s18 =	simm.s32 $0x80;
	s19 =	simm.s32 $0x880;
	s20 =	simm.s32 $0x1080  }
0x5: {  	s21 =	simm.s32 $0x1880;
	s22 =	simm.s32 $0x2080;
	s23 =	simm.s32 $0x2880  }
0x6: {  	s24 =	simm.s32 $0x3080;
	s25 =	simm.s32 $0x3880;
	s28 =	simm.s32 $0x4880  }
0x7: {  	s29 =	simm.s32 $0x5080;
	s5 =	sand.u32 $0x1, s2;
	s26 =	sshll.u32 s0, $0x1  }
0x8: {  	s30 =	simm.s32 $0x5880;
	s2 =	rddreg [dreg:$0x3];
	s7 =	sor.u32 s5, s26  }
0x9: {  	s31 =	simm.s32 $0x1;
	[smem:$0x7FF] =	sst s3;
	s8 =	smul.u32 $0x240, s7  }
0xa: {  	_ =	strace $0x80000047;
	s5 =	ssub.s32 $0x2, s5;
	s7 =	smul.u32 $0x24000, s7  }
0xb: {  	s26 =	simm.s32 $0x4080;
	s9 =	sshrl.u32 s5, $0x1;
	s8 =	sshrl.u32 s8, $0x3  }
0xc: {  	s16 =	ssub.s32 s5, s9;
	s7 =	sshrl.u32 s7, $0x3;
	s4 =	sadd.s32 s4, s8  }
0xd: {  	s16 =	smax.u32 s16, $0x1;
	s5 =	sadd.s32 s6, s7;
	s6 =	sadd.s32 $0xC, s4  }
0xe: {  	v2 =	vlaneseq.u32;
	s7 =	sadd.s32 $0xC00, s5;
	s8 =	sadd.s32 $0x18, s4;
	s9 =	sadd.s32 $0x1800, s5  }
0xf: {  	vm0 =	vmmov $0xffff;
	v1 =	vshrl.u32 v2, $0x3;
	s10 =	sadd.s32 $0x24, s4;
	s11 =	sadd.s32 $0x2400, s5;
	s12 =	sadd.s32 $0x30, s4  }
0x10: {  	v0 =	vand.u32 $0x7, v2;
	v2 =	vor.u32 $0x8, v2;
	v1 =	vmul.u32 $0x8, v1;
	s13 =	sadd.s32 $0x3000, s5;
	s14 =	sadd.s32 $0x3C, s4;
	s15 =	sadd.s32 $0x3C00, s5  }
.LBB2_1:
0x11: {  	[tilespmem:s3], [sflag:$0x2] =	stream.linear.gather [hbm4b:s4+s3], $0x60, $0x38;
	[tilespmem:$0x6080] =	vst v63  }
0x12: {  	_ =	swait.ge [sflag:s17], $0x60  }
0x13: {  	[sflag:s17] =	ssyncset.done $0x0  }
0x14: {  	[sflag:s17] =	ssyncadd.s32 $0xFFFFFFA0  }
0x15: {  	v3 =	vld [tilespmem:$0x0];
	_ =	sdelay $0x4  }
0x16: {  	v4 =	vshll.u32 v3, $0x1  }
0x17: {  	v3 =	vand.u32 $0x7, v3;
	v4 =	vand.u32 $0xFFFFFFF0, v4  }
0x18: {  	v3 =	vor.u32 v3, v4  }
0x19: {  	v4 =	vperm.xlane v3, v0;
	_ =	sdelay $0x1  }
0x1a: {  	v3 =	vperm.xlane v3, v2;
	v4 =	vadd.s32 v1, v4;
	_ =	sdelay $0x1  }
0x1b: {  	v3 =	vadd.s32 v1, v3;
	_ =	sdelay $0x2  }
0x1c: {  	[tilespmem:s18], [sflag:$0x1] =	stream.indirect_vreg.gather [hbm4b:s1+s3], $0x80, v4, vm0, $0xb8;
	[tilespmem:$0x6080] =	vst v63  }
0x1d: {  	_ = 	snop  }
0x1e: {  	[tilespmem:s19], [sflag:$0x1] =	stream.indirect_vreg.gather [hbm4b:s1+s3], $0x80, v3, vm0, $0xb8;
	[tilespmem:$0x6080] =	vst v63  }
0x1f: {  	v3 =	vld [tilespmem:$0x10];
	_ =	sdelay $0x4  }
0x20: {  	v29 =	vshll.u32 v3, $0x1  }
0x21: {  	v3 =	vand.u32 $0x7, v3;
	v4 =	vand.u32 $0xFFFFFFF0, v29  }
0x22: {  	v3 =	vor.u32 v3, v4  }
0x23: {  	v4 =	vperm.xlane v3, v0;
	_ =	sdelay $0x1  }
0x24: {  	v3 =	vperm.xlane v3, v2;
	v4 =	vadd.s32 v1, v4;
	_ =	sdelay $0x1  }
0x25: {  	v3 =	vadd.s32 v1, v3;
	_ =	sdelay $0x2  }
0x26: {  	[tilespmem:s20], [sflag:$0x1] =	stream.indirect_vreg.gather [hbm4b:s1+s3], $0x80, v4, vm0, $0xb8;
	[tilespmem:$0x6080] =	vst v63  }
0x27: {  	_ = 	snop  }
0x28: {  	[tilespmem:s21], [sflag:$0x1] =	stream.indirect_vreg.gather [hbm4b:s1+s3], $0x80, v3, vm0, $0xb8;
	[tilespmem:$0x6080] =	vst v63  }
0x29: {  	v3 =	vld [tilespmem:$0x20];
	_ =	sdelay $0x4  }
0x2a: {  	v30 =	vshll.u32 v3, $0x1  }
0x2b: {  	v3 =	vand.u32 $0x7, v3;
	v4 =	vand.u32 $0xFFFFFFF0, v30  }
0x2c: {  	v3 =	vor.u32 v3, v4  }
0x2d: {  	v4 =	vperm.xlane v3, v0;
	_ =	sdelay $0x1  }
0x2e: {  	v3 =	vperm.xlane v3, v2;
	v4 =	vadd.s32 v1, v4;
	_ =	sdelay $0x1  }
0x2f: {  	v3 =	vadd.s32 v1, v3;
	_ =	sdelay $0x2  }
0x30: {  	[tilespmem:s22], [sflag:$0x1] =	stream.indirect_vreg.gather [hbm4b:s1+s3], $0x80, v4, vm0, $0xb8;
	[tilespmem:$0x6080] =	vst v63  }
0x31: {  	_ = 	snop  }
0x32: {  	[tilespmem:s23], [sflag:$0x1] =	stream.indirect_vreg.gather [hbm4b:s1+s3], $0x80, v3, vm0, $0xb8;
	[tilespmem:$0x6080] =	vst v63  }
0x33: {  	v3 =	vld [tilespmem:$0x30];
	_ =	sdelay $0x4  }
0x34: {  	v31 =	vshll.u32 v3, $0x1  }
0x35: {  	v3 =	vand.u32 $0x7, v3;
	v4 =	vand.u32 $0xFFFFFFF0, v31  }
0x36: {  	v3 =	vor.u32 v3, v4  }
0x37: {  	v4 =	vperm.xlane v3, v0;
	_ =	sdelay $0x1  }
0x38: {  	v3 =	vperm.xlane v3, v2;
	v4 =	vadd.s32 v1, v4;
	_ =	sdelay $0x1  }
0x39: {  	v3 =	vadd.s32 v1, v3;
	_ =	sdelay $0x2  }
0x3a: {  	[tilespmem:s24], [sflag:$0x1] =	stream.indirect_vreg.gather [hbm4b:s1+s3], $0x80, v4, vm0, $0xb8;
	[tilespmem:$0x6080] =	vst v63  }
0x3b: {  	_ = 	snop  }
0x3c: {  	[tilespmem:s25], [sflag:$0x1] =	stream.indirect_vreg.gather [hbm4b:s1+s3], $0x80, v3, vm0, $0xb8;
	[tilespmem:$0x6080] =	vst v63  }
0x3d: {  	v3 =	vld [tilespmem:$0x40];
	_ =	sdelay $0x4  }
0x3e: {  	v32 =	vshll.u32 v3, $0x1  }
0x3f: {  	v3 =	vand.u32 $0x7, v3;
	v4 =	vand.u32 $0xFFFFFFF0, v32  }
0x40: {  	v3 =	vor.u32 v3, v4  }
0x41: {  	v4 =	vperm.xlane v3, v0;
	_ =	sdelay $0x1  }
0x42: {  	v3 =	vperm.xlane v3, v2;
	v4 =	vadd.s32 v1, v4;
	_ =	sdelay $0x1  }
0x43: {  	v3 =	vadd.s32 v1, v3;
	_ =	sdelay $0x2  }
0x44: {  	[tilespmem:s26], [sflag:$0x1] =	stream.indirect_vreg.gather [hbm4b:s1+s3], $0x80, v4, vm0, $0xb8;
	[tilespmem:$0x6080] =	vst v63  }
0x45: {  	_ = 	snop  }
0x46: {  	[tilespmem:s28], [sflag:$0x1] =	stream.indirect_vreg.gather [hbm4b:s1+s3], $0x80, v3, vm0, $0xb8;
	[tilespmem:$0x6080] =	vst v63  }
0x47: {  	v3 =	vld [tilespmem:$0x50];
	_ =	sdelay $0x4  }
0x48: {  	v33 =	vshll.u32 v3, $0x1  }
0x49: {  	v3 =	vand.u32 $0x7, v3;
	v4 =	vand.u32 $0xFFFFFFF0, v33  }
0x4a: {  	v3 =	vor.u32 v3, v4  }
0x4b: {  	v4 =	vperm.xlane v3, v0;
	_ =	sdelay $0x1  }
0x4c: {  	v3 =	vperm.xlane v3, v2;
	v4 =	vadd.s32 v1, v4;
	_ =	sdelay $0x1  }
0x4d: {  	v3 =	vadd.s32 v1, v3;
	_ =	sdelay $0x2  }
0x4e: {  	[tilespmem:s29], [sflag:$0x1] =	stream.indirect_vreg.gather [hbm4b:s1+s3], $0x80, v4, vm0, $0xb8;
	[tilespmem:$0x6080] =	vst v63  }
0x4f: {  	_ = 	snop  }
0x50: {  	[tilespmem:s30], [sflag:$0x1] =	stream.indirect_vreg.gather [hbm4b:s1+s3], $0x80, v3, vm0, $0xb8;
	[tilespmem:$0x6080] =	vst v63  }
0x51: {  	_ =	swait.ge [sflag:s31], $0x6000  }
0x52: {  	[sflag:s31] =	ssyncset.done $0x0  }
0x53: {  	[sflag:s31] =	ssyncadd.s32 $0xFFFFA000  }
0x54: {  	[hbm4b:s5+s3] =	stream.linear.scatter [tilespmem:s18], [sflag:$0x2], $0x6000, $0x38;
	[tilespmem:$0x6080] =	vst v63  }
0x55: {  	_ =	swait.ge [sflag:s17], $0x6000  }
0x56: {  	[sflag:s17] =	ssyncset.done $0x0  }
0x57: {  	[sflag:s17] =	ssyncadd.s32 $0xFFFFA000  }
0x58: {  	[tilespmem:s3], [sflag:$0x2] =	stream.linear.gather [hbm4b:s6+s3], $0x60, $0x38;
	[tilespmem:$0x6080] =	vst v63  }
0x59: {  	_ =	swait.ge [sflag:s17], $0x60  }
0x5a: {  	[sflag:s17] =	ssyncset.done $0x0  }
0x5b: {  	[sflag:s17] =	ssyncadd.s32 $0xFFFFFFA0  }
0x5c: {  	v3 =	vld [tilespmem:$0x0];
	_ =	sdelay $0x4  }
0x5d: {  	v34 =	vshll.u32 v3, $0x1  }
0x5e: {  	v3 =	vand.u32 $0x7, v3;
	v4 =	vand.u32 $0xFFFFFFF0, v34  }
0x5f: {  	v3 =	vor.u32 v3, v4  }
0x60: {  	v4 =	vperm.xlane v3, v0;
	_ =	sdelay $0x1  }
0x61: {  	v3 =	vperm.xlane v3, v2;
	v4 =	vadd.s32 v1, v4;
	_ =	sdelay $0x1  }
0x62: {  	v3 =	vadd.s32 v1, v3;
	_ =	sdelay $0x2  }
0x63: {  	[tilespmem:s18], [sflag:$0x1] =	stream.indirect_vreg.gather [hbm4b:s1+s3], $0x80, v4, vm0, $0xb8;
	[tilespmem:$0x6080] =	vst v63  }
0x64: {  	_ = 	snop  }
0x65: {  	[tilespmem:s19], [sflag:$0x1] =	stream.indirect_vreg.gather [hbm4b:s1+s3], $0x80, v3, vm0, $0xb8;
	[tilespmem:$0x6080] =	vst v63  }
0x66: {  	v3 =	vld [tilespmem:$0x10];
	_ =	sdelay $0x4  }
0x67: {  	v35 =	vshll.u32 v3, $0x1  }
0x68: {  	v3 =	vand.u32 $0x7, v3;
	v4 =	vand.u32 $0xFFFFFFF0, v35  }
0x69: {  	v3 =	vor.u32 v3, v4  }
0x6a: {  	v4 =	vperm.xlane v3, v0;
	_ =	sdelay $0x1  }
0x6b: {  	v3 =	vperm.xlane v3, v2;
	v4 =	vadd.s32 v1, v4;
	_ =	sdelay $0x1  }
0x6c: {  	v3 =	vadd.s32 v1, v3;
	_ =	sdelay $0x2  }
0x6d: {  	[tilespmem:s20], [sflag:$0x1] =	stream.indirect_vreg.gather [hbm4b:s1+s3], $0x80, v4, vm0, $0xb8;
	[tilespmem:$0x6080] =	vst v63  }
0x6e: {  	_ = 	snop  }
0x6f: {  	[tilespmem:s21], [sflag:$0x1] =	stream.indirect_vreg.gather [hbm4b:s1+s3], $0x80, v3, vm0, $0xb8;
	[tilespmem:$0x6080] =	vst v63  }
0x70: {  	v3 =	vld [tilespmem:$0x20];
	_ =	sdelay $0x4  }
0x71: {  	v36 =	vshll.u32 v3, $0x1  }
0x72: {  	v3 =	vand.u32 $0x7, v3;
	v4 =	vand.u32 $0xFFFFFFF0, v36  }
0x73: {  	v3 =	vor.u32 v3, v4  }
0x74: {  	v4 =	vperm.xlane v3, v0;
	_ =	sdelay $0x1  }
0x75: {  	v3 =	vperm.xlane v3, v2;
	v4 =	vadd.s32 v1, v4;
	_ =	sdelay $0x1  }
0x76: {  	v3 =	vadd.s32 v1, v3;
	_ =	sdelay $0x2  }
0x77: {  	[tilespmem:s22], [sflag:$0x1] =	stream.indirect_vreg.gather [hbm4b:s1+s3], $0x80, v4, vm0, $0xb8;
	[tilespmem:$0x6080] =	vst v63  }
0x78: {  	_ = 	snop  }
0x79: {  	[tilespmem:s23], [sflag:$0x1] =	stream.indirect_vreg.gather [hbm4b:s1+s3], $0x80, v3, vm0, $0xb8;
	[tilespmem:$0x6080] =	vst v63  }
0x7a: {  	v3 =	vld [tilespmem:$0x30];
	_ =	sdelay $0x4  }
0x7b: {  	v37 =	vshll.u32 v3, $0x1  }
0x7c: {  	v3 =	vand.u32 $0x7, v3;
	v4 =	vand.u32 $0xFFFFFFF0, v37  }
0x7d: {  	v3 =	vor.u32 v3, v4  }
0x7e: {  	v4 =	vperm.xlane v3, v0;
	_ =	sdelay $0x1  }
0x7f: {  	v3 =	vperm.xlane v3, v2;
	v4 =	vadd.s32 v1, v4;
	_ =	sdelay $0x1  }
0x80: {  	v3 =	vadd.s32 v1, v3;
	_ =	sdelay $0x2  }
0x81: {  	[tilespmem:s24], [sflag:$0x1] =	stream.indirect_vreg.gather [hbm4b:s1+s3], $0x80, v4, vm0, $0xb8;
	[tilespmem:$0x6080] =	vst v63  }
0x82: {  	_ = 	snop  }
0x83: {  	[tilespmem:s25], [sflag:$0x1] =	stream.indirect_vreg.gather [hbm4b:s1+s3], $0x80, v3, vm0, $0xb8;
	[tilespmem:$0x6080] =	vst v63  }
0x84: {  	v3 =	vld [tilespmem:$0x40];
	_ =	sdelay $0x4  }
0x85: {  	v38 =	vshll.u32 v3, $0x1  }
0x86: {  	v3 =	vand.u32 $0x7, v3;
	v4 =	vand.u32 $0xFFFFFFF0, v38  }
0x87: {  	v3 =	vor.u32 v3, v4  }
0x88: {  	v4 =	vperm.xlane v3, v0;
	_ =	sdelay $0x1  }
0x89: {  	v3 =	vperm.xlane v3, v2;
	v4 =	vadd.s32 v1, v4;
	_ =	sdelay $0x1  }
0x8a: {  	v3 =	vadd.s32 v1, v3;
	_ =	sdelay $0x2  }
0x8b: {  	[tilespmem:s26], [sflag:$0x1] =	stream.indirect_vreg.gather [hbm4b:s1+s3], $0x80, v4, vm0, $0xb8;
	[tilespmem:$0x6080] =	vst v63  }
0x8c: {  	_ = 	snop  }
0x8d: {  	[tilespmem:s28], [sflag:$0x1] =	stream.indirect_vreg.gather [hbm4b:s1+s3], $0x80, v3, vm0, $0xb8;
	[tilespmem:$0x6080] =	vst v63  }
0x8e: {  	v3 =	vld [tilespmem:$0x50];
	_ =	sdelay $0x4  }
0x8f: {  	v39 =	vshll.u32 v3, $0x1  }
0x90: {  	v3 =	vand.u32 $0x7, v3;
	v4 =	vand.u32 $0xFFFFFFF0, v39  }
0x91: {  	v3 =	vor.u32 v3, v4  }
0x92: {  	v4 =	vperm.xlane v3, v0;
	_ =	sdelay $0x1  }
0x93: {  	v3 =	vperm.xlane v3, v2;
	v4 =	vadd.s32 v1, v4;
	_ =	sdelay $0x1  }
0x94: {  	v3 =	vadd.s32 v1, v3;
	_ =	sdelay $0x2  }
0x95: {  	[tilespmem:s29], [sflag:$0x1] =	stream.indirect_vreg.gather [hbm4b:s1+s3], $0x80, v4, vm0, $0xb8;
	[tilespmem:$0x6080] =	vst v63  }
0x96: {  	_ = 	snop  }
0x97: {  	[tilespmem:s30], [sflag:$0x1] =	stream.indirect_vreg.gather [hbm4b:s1+s3], $0x80, v3, vm0, $0xb8;
	[tilespmem:$0x6080] =	vst v63  }
0x98: {  	_ =	swait.ge [sflag:s31], $0x6000  }
0x99: {  	[sflag:s31] =	ssyncset.done $0x0  }
0x9a: {  	[sflag:s31] =	ssyncadd.s32 $0xFFFFA000  }
0x9b: {  	[hbm4b:s7+s3] =	stream.linear.scatter [tilespmem:s18], [sflag:$0x2], $0x6000, $0x38;
	[tilespmem:$0x6080] =	vst v63  }
0x9c: {  	_ =	swait.ge [sflag:s17], $0x6000  }
0x9d: {  	[sflag:s17] =	ssyncset.done $0x0  }
0x9e: {  	[sflag:s17] =	ssyncadd.s32 $0xFFFFA000  }
0x9f: {  	[tilespmem:s3], [sflag:$0x2] =	stream.linear.gather [hbm4b:s8+s3], $0x60, $0x38;
	[tilespmem:$0x6080] =	vst v63  }
0xa0: {  	_ =	swait.ge [sflag:s17], $0x60  }
0xa1: {  	[sflag:s17] =	ssyncset.done $0x0  }
0xa2: {  	[sflag:s17] =	ssyncadd.s32 $0xFFFFFFA0  }
0xa3: {  	v3 =	vld [tilespmem:$0x0];
	_ =	sdelay $0x4  }
0xa4: {  	v40 =	vshll.u32 v3, $0x1  }
0xa5: {  	v3 =	vand.u32 $0x7, v3;
	v4 =	vand.u32 $0xFFFFFFF0, v40  }
0xa6: {  	v3 =	vor.u32 v3, v4  }
0xa7: {  	v4 =	vperm.xlane v3, v0;
	_ =	sdelay $0x1  }
0xa8: {  	v3 =	vperm.xlane v3, v2;
	v4 =	vadd.s32 v1, v4;
	_ =	sdelay $0x1  }
0xa9: {  	v3 =	vadd.s32 v1, v3;
	_ =	sdelay $0x2  }
0xaa: {  	[tilespmem:s18], [sflag:$0x1] =	stream.indirect_vreg.gather [hbm4b:s1+s3], $0x80, v4, vm0, $0xb8;
	[tilespmem:$0x6080] =	vst v63  }
0xab: {  	_ = 	snop  }
0xac: {  	[tilespmem:s19], [sflag:$0x1] =	stream.indirect_vreg.gather [hbm4b:s1+s3], $0x80, v3, vm0, $0xb8;
	[tilespmem:$0x6080] =	vst v63  }
0xad: {  	v3 =	vld [tilespmem:$0x10];
	_ =	sdelay $0x4  }
0xae: {  	v41 =	vshll.u32 v3, $0x1  }
0xaf: {  	v3 =	vand.u32 $0x7, v3;
	v4 =	vand.u32 $0xFFFFFFF0, v41  }
0xb0: {  	v3 =	vor.u32 v3, v4  }
0xb1: {  	v4 =	vperm.xlane v3, v0;
	_ =	sdelay $0x1  }
0xb2: {  	v3 =	vperm.xlane v3, v2;
	v4 =	vadd.s32 v1, v4;
	_ =	sdelay $0x1  }
0xb3: {  	v3 =	vadd.s32 v1, v3;
	_ =	sdelay $0x2  }
0xb4: {  	[tilespmem:s20], [sflag:$0x1] =	stream.indirect_vreg.gather [hbm4b:s1+s3], $0x80, v4, vm0, $0xb8;
	[tilespmem:$0x6080] =	vst v63  }
0xb5: {  	_ = 	snop  }
0xb6: {  	[tilespmem:s21], [sflag:$0x1] =	stream.indirect_vreg.gather [hbm4b:s1+s3], $0x80, v3, vm0, $0xb8;
	[tilespmem:$0x6080] =	vst v63  }
0xb7: {  	v3 =	vld [tilespmem:$0x20];
	_ =	sdelay $0x4  }
0xb8: {  	v42 =	vshll.u32 v3, $0x1  }
0xb9: {  	v3 =	vand.u32 $0x7, v3;
	v4 =	vand.u32 $0xFFFFFFF0, v42  }
0xba: {  	v3 =	vor.u32 v3, v4  }
0xbb: {  	v4 =	vperm.xlane v3, v0;
	_ =	sdelay $0x1  }
0xbc: {  	v3 =	vperm.xlane v3, v2;
	v4 =	vadd.s32 v1, v4;
	_ =	sdelay $0x1  }
0xbd: {  	v3 =	vadd.s32 v1, v3;
	_ =	sdelay $0x2  }
0xbe: {  	[tilespmem:s22], [sflag:$0x1] =	stream.indirect_vreg.gather [hbm4b:s1+s3], $0x80, v4, vm0, $0xb8;
	[tilespmem:$0x6080] =	vst v63  }
0xbf: {  	_ = 	snop  }
0xc0: {  	[tilespmem:s23], [sflag:$0x1] =	stream.indirect_vreg.gather [hbm4b:s1+s3], $0x80, v3, vm0, $0xb8;
	[tilespmem:$0x6080] =	vst v63  }
0xc1: {  	v3 =	vld [tilespmem:$0x30];
	_ =	sdelay $0x4  }
0xc2: {  	v43 =	vshll.u32 v3, $0x1  }
0xc3: {  	v3 =	vand.u32 $0x7, v3;
	v4 =	vand.u32 $0xFFFFFFF0, v43  }
0xc4: {  	v3 =	vor.u32 v3, v4  }
0xc5: {  	v4 =	vperm.xlane v3, v0;
	_ =	sdelay $0x1  }
0xc6: {  	v3 =	vperm.xlane v3, v2;
	v4 =	vadd.s32 v1, v4;
	_ =	sdelay $0x1  }
0xc7: {  	v3 =	vadd.s32 v1, v3;
	_ =	sdelay $0x2  }
0xc8: {  	[tilespmem:s24], [sflag:$0x1] =	stream.indirect_vreg.gather [hbm4b:s1+s3], $0x80, v4, vm0, $0xb8;
	[tilespmem:$0x6080] =	vst v63  }
0xc9: {  	_ = 	snop  }
0xca: {  	[tilespmem:s25], [sflag:$0x1] =	stream.indirect_vreg.gather [hbm4b:s1+s3], $0x80, v3, vm0, $0xb8;
	[tilespmem:$0x6080] =	vst v63  }
0xcb: {  	v3 =	vld [tilespmem:$0x40];
	_ =	sdelay $0x4  }
0xcc: {  	v44 =	vshll.u32 v3, $0x1  }
0xcd: {  	v3 =	vand.u32 $0x7, v3;
	v4 =	vand.u32 $0xFFFFFFF0, v44  }
0xce: {  	v3 =	vor.u32 v3, v4  }
0xcf: {  	v4 =	vperm.xlane v3, v0;
	_ =	sdelay $0x1  }
0xd0: {  	v3 =	vperm.xlane v3, v2;
	v4 =	vadd.s32 v1, v4;
	_ =	sdelay $0x1  }
0xd1: {  	v3 =	vadd.s32 v1, v3;
	_ =	sdelay $0x2  }
0xd2: {  	[tilespmem:s26], [sflag:$0x1] =	stream.indirect_vreg.gather [hbm4b:s1+s3], $0x80, v4, vm0, $0xb8;
	[tilespmem:$0x6080] =	vst v63  }
0xd3: {  	_ = 	snop  }
0xd4: {  	[tilespmem:s28], [sflag:$0x1] =	stream.indirect_vreg.gather [hbm4b:s1+s3], $0x80, v3, vm0, $0xb8;
	[tilespmem:$0x6080] =	vst v63  }
0xd5: {  	v3 =	vld [tilespmem:$0x50];
	_ =	sdelay $0x4  }
0xd6: {  	v45 =	vshll.u32 v3, $0x1  }
0xd7: {  	v3 =	vand.u32 $0x7, v3;
	v4 =	vand.u32 $0xFFFFFFF0, v45  }
0xd8: {  	v3 =	vor.u32 v3, v4  }
0xd9: {  	v4 =	vperm.xlane v3, v0;
	_ =	sdelay $0x1  }
0xda: {  	v3 =	vperm.xlane v3, v2;
	v4 =	vadd.s32 v1, v4;
	_ =	sdelay $0x1  }
0xdb: {  	v3 =	vadd.s32 v1, v3;
	_ =	sdelay $0x2  }
0xdc: {  	[tilespmem:s29], [sflag:$0x1] =	stream.indirect_vreg.gather [hbm4b:s1+s3], $0x80, v4, vm0, $0xb8;
	[tilespmem:$0x6080] =	vst v63  }
0xdd: {  	_ = 	snop  }
0xde: {  	[tilespmem:s30], [sflag:$0x1] =	stream.indirect_vreg.gather [hbm4b:s1+s3], $0x80, v3, vm0, $0xb8;
	[tilespmem:$0x6080] =	vst v63  }
0xdf: {  	_ =	swait.ge [sflag:s31], $0x6000  }
0xe0: {  	[sflag:s31] =	ssyncset.done $0x0  }
0xe1: {  	[sflag:s31] =	ssyncadd.s32 $0xFFFFA000  }
0xe2: {  	[hbm4b:s9+s3] =	stream.linear.scatter [tilespmem:s18], [sflag:$0x2], $0x6000, $0x38;
	[tilespmem:$0x6080] =	vst v63  }
0xe3: {  	_ =	swait.ge [sflag:s17], $0x6000  }
0xe4: {  	[sflag:s17] =	ssyncset.done $0x0  }
0xe5: {  	[sflag:s17] =	ssyncadd.s32 $0xFFFFA000  }
0xe6: {  	[tilespmem:s3], [sflag:$0x2] =	stream.linear.gather [hbm4b:s10+s3], $0x60, $0x38;
	[tilespmem:$0x6080] =	vst v63  }
0xe7: {  	_ =	swait.ge [sflag:s17], $0x60  }
0xe8: {  	[sflag:s17] =	ssyncset.done $0x0  }
0xe9: {  	[sflag:s17] =	ssyncadd.s32 $0xFFFFFFA0  }
0xea: {  	v3 =	vld [tilespmem:$0x0];
	_ =	sdelay $0x4  }
0xeb: {  	v46 =	vshll.u32 v3, $0x1  }
0xec: {  	v3 =	vand.u32 $0x7, v3;
	v4 =	vand.u32 $0xFFFFFFF0, v46  }
0xed: {  	v3 =	vor.u32 v3, v4  }
0xee: {  	v4 =	vperm.xlane v3, v0;
	_ =	sdelay $0x1  }
0xef: {  	v3 =	vperm.xlane v3, v2;
	v4 =	vadd.s32 v1, v4;
	_ =	sdelay $0x1  }
0xf0: {  	v3 =	vadd.s32 v1, v3;
	_ =	sdelay $0x2  }
0xf1: {  	[tilespmem:s18], [sflag:$0x1] =	stream.indirect_vreg.gather [hbm4b:s1+s3], $0x80, v4, vm0, $0xb8;
	[tilespmem:$0x6080] =	vst v63  }
0xf2: {  	_ = 	snop  }
0xf3: {  	[tilespmem:s19], [sflag:$0x1] =	stream.indirect_vreg.gather [hbm4b:s1+s3], $0x80, v3, vm0, $0xb8;
	[tilespmem:$0x6080] =	vst v63  }
0xf4: {  	v3 =	vld [tilespmem:$0x10];
	_ =	sdelay $0x4  }
0xf5: {  	v47 =	vshll.u32 v3, $0x1  }
0xf6: {  	v3 =	vand.u32 $0x7, v3;
	v4 =	vand.u32 $0xFFFFFFF0, v47  }
0xf7: {  	v3 =	vor.u32 v3, v4  }
0xf8: {  	v4 =	vperm.xlane v3, v0;
	_ =	sdelay $0x1  }
0xf9: {  	v3 =	vperm.xlane v3, v2;
	v4 =	vadd.s32 v1, v4;
	_ =	sdelay $0x1  }
0xfa: {  	v3 =	vadd.s32 v1, v3;
	_ =	sdelay $0x2  }
0xfb: {  	[tilespmem:s20], [sflag:$0x1] =	stream.indirect_vreg.gather [hbm4b:s1+s3], $0x80, v4, vm0, $0xb8;
	[tilespmem:$0x6080] =	vst v63  }
0xfc: {  	_ = 	snop  }
0xfd: {  	[tilespmem:s21], [sflag:$0x1] =	stream.indirect_vreg.gather [hbm4b:s1+s3], $0x80, v3, vm0, $0xb8;
	[tilespmem:$0x6080] =	vst v63  }
0xfe: {  	v3 =	vld [tilespmem:$0x20];
	_ =	sdelay $0x4  }
0xff: {  	v48 =	vshll.u32 v3, $0x1  }
0x100: {  	v3 =	vand.u32 $0x7, v3;
	v4 =	vand.u32 $0xFFFFFFF0, v48  }
0x101: {  	v3 =	vor.u32 v3, v4  }
0x102: {  	v4 =	vperm.xlane v3, v0;
	_ =	sdelay $0x1  }
0x103: {  	v3 =	vperm.xlane v3, v2;
	v4 =	vadd.s32 v1, v4;
	_ =	sdelay $0x1  }
0x104: {  	v3 =	vadd.s32 v1, v3;
	_ =	sdelay $0x2  }
0x105: {  	[tilespmem:s22], [sflag:$0x1] =	stream.indirect_vreg.gather [hbm4b:s1+s3], $0x80, v4, vm0, $0xb8;
	[tilespmem:$0x6080] =	vst v63  }
0x106: {  	_ = 	snop  }
0x107: {  	[tilespmem:s23], [sflag:$0x1] =	stream.indirect_vreg.gather [hbm4b:s1+s3], $0x80, v3, vm0, $0xb8;
	[tilespmem:$0x6080] =	vst v63  }
0x108: {  	v3 =	vld [tilespmem:$0x30];
	_ =	sdelay $0x4  }
0x109: {  	v49 =	vshll.u32 v3, $0x1  }
0x10a: {  	v3 =	vand.u32 $0x7, v3;
	v4 =	vand.u32 $0xFFFFFFF0, v49  }
0x10b: {  	v3 =	vor.u32 v3, v4  }
0x10c: {  	v4 =	vperm.xlane v3, v0;
	_ =	sdelay $0x1  }
0x10d: {  	v3 =	vperm.xlane v3, v2;
	v4 =	vadd.s32 v1, v4;
	_ =	sdelay $0x1  }
0x10e: {  	v3 =	vadd.s32 v1, v3;
	_ =	sdelay $0x2  }
0x10f: {  	[tilespmem:s24], [sflag:$0x1] =	stream.indirect_vreg.gather [hbm4b:s1+s3], $0x80, v4, vm0, $0xb8;
	[tilespmem:$0x6080] =	vst v63  }
0x110: {  	_ = 	snop  }
0x111: {  	[tilespmem:s25], [sflag:$0x1] =	stream.indirect_vreg.gather [hbm4b:s1+s3], $0x80, v3, vm0, $0xb8;
	[tilespmem:$0x6080] =	vst v63  }
0x112: {  	v3 =	vld [tilespmem:$0x40];
	_ =	sdelay $0x4  }
0x113: {  	v50 =	vshll.u32 v3, $0x1  }
0x114: {  	v3 =	vand.u32 $0x7, v3;
	v4 =	vand.u32 $0xFFFFFFF0, v50  }
0x115: {  	v3 =	vor.u32 v3, v4  }
0x116: {  	v4 =	vperm.xlane v3, v0;
	_ =	sdelay $0x1  }
0x117: {  	v3 =	vperm.xlane v3, v2;
	v4 =	vadd.s32 v1, v4;
	_ =	sdelay $0x1  }
0x118: {  	v3 =	vadd.s32 v1, v3;
	_ =	sdelay $0x2  }
0x119: {  	[tilespmem:s26], [sflag:$0x1] =	stream.indirect_vreg.gather [hbm4b:s1+s3], $0x80, v4, vm0, $0xb8;
	[tilespmem:$0x6080] =	vst v63  }
0x11a: {  	_ = 	snop  }
0x11b: {  	[tilespmem:s28], [sflag:$0x1] =	stream.indirect_vreg.gather [hbm4b:s1+s3], $0x80, v3, vm0, $0xb8;
	[tilespmem:$0x6080] =	vst v63  }
0x11c: {  	v3 =	vld [tilespmem:$0x50];
	_ =	sdelay $0x4  }
0x11d: {  	v51 =	vshll.u32 v3, $0x1  }
0x11e: {  	v3 =	vand.u32 $0x7, v3;
	v4 =	vand.u32 $0xFFFFFFF0, v51  }
0x11f: {  	v3 =	vor.u32 v3, v4  }
0x120: {  	v4 =	vperm.xlane v3, v0;
	_ =	sdelay $0x1  }
0x121: {  	v3 =	vperm.xlane v3, v2;
	v4 =	vadd.s32 v1, v4;
	_ =	sdelay $0x1  }
0x122: {  	v3 =	vadd.s32 v1, v3;
	_ =	sdelay $0x2  }
0x123: {  	[tilespmem:s29], [sflag:$0x1] =	stream.indirect_vreg.gather [hbm4b:s1+s3], $0x80, v4, vm0, $0xb8;
	[tilespmem:$0x6080] =	vst v63  }
0x124: {  	_ = 	snop  }
0x125: {  	[tilespmem:s30], [sflag:$0x1] =	stream.indirect_vreg.gather [hbm4b:s1+s3], $0x80, v3, vm0, $0xb8;
	[tilespmem:$0x6080] =	vst v63  }
0x126: {  	_ =	swait.ge [sflag:s31], $0x6000  }
0x127: {  	[sflag:s31] =	ssyncset.done $0x0  }
0x128: {  	[sflag:s31] =	ssyncadd.s32 $0xFFFFA000  }
0x129: {  	[hbm4b:s11+s3] =	stream.linear.scatter [tilespmem:s18], [sflag:$0x2], $0x6000, $0x38;
	[tilespmem:$0x6080] =	vst v63  }
0x12a: {  	_ =	swait.ge [sflag:s17], $0x6000  }
0x12b: {  	[sflag:s17] =	ssyncset.done $0x0  }
0x12c: {  	[sflag:s17] =	ssyncadd.s32 $0xFFFFA000  }
0x12d: {  	[tilespmem:s3], [sflag:$0x2] =	stream.linear.gather [hbm4b:s12+s3], $0x60, $0x38;
	[tilespmem:$0x6080] =	vst v63  }
0x12e: {  	_ =	swait.ge [sflag:s17], $0x60  }
0x12f: {  	[sflag:s17] =	ssyncset.done $0x0  }
0x130: {  	[sflag:s17] =	ssyncadd.s32 $0xFFFFFFA0  }
0x131: {  	v3 =	vld [tilespmem:$0x0];
	_ =	sdelay $0x4  }
0x132: {  	v52 =	vshll.u32 v3, $0x1  }
0x133: {  	v3 =	vand.u32 $0x7, v3;
	v4 =	vand.u32 $0xFFFFFFF0, v52  }
0x134: {  	v3 =	vor.u32 v3, v4  }
0x135: {  	v4 =	vperm.xlane v3, v0;
	_ =	sdelay $0x1  }
0x136: {  	v3 =	vperm.xlane v3, v2;
	v4 =	vadd.s32 v1, v4;
	_ =	sdelay $0x1  }
0x137: {  	v3 =	vadd.s32 v1, v3;
	_ =	sdelay $0x2  }
0x138: {  	[tilespmem:s18], [sflag:$0x1] =	stream.indirect_vreg.gather [hbm4b:s1+s3], $0x80, v4, vm0, $0xb8;
	[tilespmem:$0x6080] =	vst v63  }
0x139: {  	_ = 	snop  }
0x13a: {  	[tilespmem:s19], [sflag:$0x1] =	stream.indirect_vreg.gather [hbm4b:s1+s3], $0x80, v3, vm0, $0xb8;
	[tilespmem:$0x6080] =	vst v63  }
0x13b: {  	v3 =	vld [tilespmem:$0x10];
	_ =	sdelay $0x4  }
0x13c: {  	v53 =	vshll.u32 v3, $0x1  }
0x13d: {  	v3 =	vand.u32 $0x7, v3;
	v4 =	vand.u32 $0xFFFFFFF0, v53  }
0x13e: {  	v3 =	vor.u32 v3, v4  }
0x13f: {  	v4 =	vperm.xlane v3, v0;
	_ =	sdelay $0x1  }
0x140: {  	v3 =	vperm.xlane v3, v2;
	v4 =	vadd.s32 v1, v4;
	_ =	sdelay $0x1  }
0x141: {  	v3 =	vadd.s32 v1, v3;
	_ =	sdelay $0x2  }
0x142: {  	[tilespmem:s20], [sflag:$0x1] =	stream.indirect_vreg.gather [hbm4b:s1+s3], $0x80, v4, vm0, $0xb8;
	[tilespmem:$0x6080] =	vst v63  }
0x143: {  	_ = 	snop  }
0x144: {  	[tilespmem:s21], [sflag:$0x1] =	stream.indirect_vreg.gather [hbm4b:s1+s3], $0x80, v3, vm0, $0xb8;
	[tilespmem:$0x6080] =	vst v63  }
0x145: {  	v3 =	vld [tilespmem:$0x20];
	_ =	sdelay $0x4  }
0x146: {  	v54 =	vshll.u32 v3, $0x1  }
0x147: {  	v3 =	vand.u32 $0x7, v3;
	v4 =	vand.u32 $0xFFFFFFF0, v54  }
0x148: {  	v3 =	vor.u32 v3, v4  }
0x149: {  	v4 =	vperm.xlane v3, v0;
	_ =	sdelay $0x1  }
0x14a: {  	v3 =	vperm.xlane v3, v2;
	v4 =	vadd.s32 v1, v4;
	_ =	sdelay $0x1  }
0x14b: {  	v3 =	vadd.s32 v1, v3;
	_ =	sdelay $0x2  }
0x14c: {  	[tilespmem:s22], [sflag:$0x1] =	stream.indirect_vreg.gather [hbm4b:s1+s3], $0x80, v4, vm0, $0xb8;
	[tilespmem:$0x6080] =	vst v63  }
0x14d: {  	_ = 	snop  }
0x14e: {  	[tilespmem:s23], [sflag:$0x1] =	stream.indirect_vreg.gather [hbm4b:s1+s3], $0x80, v3, vm0, $0xb8;
	[tilespmem:$0x6080] =	vst v63  }
0x14f: {  	v3 =	vld [tilespmem:$0x30];
	_ =	sdelay $0x4  }
0x150: {  	v55 =	vshll.u32 v3, $0x1  }
0x151: {  	v3 =	vand.u32 $0x7, v3;
	v4 =	vand.u32 $0xFFFFFFF0, v55  }
0x152: {  	v3 =	vor.u32 v3, v4  }
0x153: {  	v4 =	vperm.xlane v3, v0;
	_ =	sdelay $0x1  }
0x154: {  	v3 =	vperm.xlane v3, v2;
	v4 =	vadd.s32 v1, v4;
	_ =	sdelay $0x1  }
0x155: {  	v3 =	vadd.s32 v1, v3;
	_ =	sdelay $0x2  }
0x156: {  	[tilespmem:s24], [sflag:$0x1] =	stream.indirect_vreg.gather [hbm4b:s1+s3], $0x80, v4, vm0, $0xb8;
	[tilespmem:$0x6080] =	vst v63  }
0x157: {  	_ = 	snop  }
0x158: {  	[tilespmem:s25], [sflag:$0x1] =	stream.indirect_vreg.gather [hbm4b:s1+s3], $0x80, v3, vm0, $0xb8;
	[tilespmem:$0x6080] =	vst v63  }
0x159: {  	v3 =	vld [tilespmem:$0x40];
	_ =	sdelay $0x4  }
0x15a: {  	v56 =	vshll.u32 v3, $0x1  }
0x15b: {  	v3 =	vand.u32 $0x7, v3;
	v4 =	vand.u32 $0xFFFFFFF0, v56  }
0x15c: {  	v3 =	vor.u32 v3, v4  }
0x15d: {  	v4 =	vperm.xlane v3, v0;
	_ =	sdelay $0x1  }
0x15e: {  	v3 =	vperm.xlane v3, v2;
	v4 =	vadd.s32 v1, v4;
	_ =	sdelay $0x1  }
0x15f: {  	v3 =	vadd.s32 v1, v3;
	_ =	sdelay $0x2  }
0x160: {  	[tilespmem:s26], [sflag:$0x1] =	stream.indirect_vreg.gather [hbm4b:s1+s3], $0x80, v4, vm0, $0xb8;
	[tilespmem:$0x6080] =	vst v63  }
0x161: {  	_ = 	snop  }
0x162: {  	[tilespmem:s28], [sflag:$0x1] =	stream.indirect_vreg.gather [hbm4b:s1+s3], $0x80, v3, vm0, $0xb8;
	[tilespmem:$0x6080] =	vst v63  }
0x163: {  	v3 =	vld [tilespmem:$0x50];
	_ =	sdelay $0x4  }
0x164: {  	v57 =	vshll.u32 v3, $0x1  }
0x165: {  	v3 =	vand.u32 $0x7, v3;
	v4 =	vand.u32 $0xFFFFFFF0, v57  }
0x166: {  	v3 =	vor.u32 v3, v4  }
0x167: {  	v4 =	vperm.xlane v3, v0;
	_ =	sdelay $0x1  }
0x168: {  	v3 =	vperm.xlane v3, v2;
	v4 =	vadd.s32 v1, v4;
	_ =	sdelay $0x1  }
0x169: {  	v3 =	vadd.s32 v1, v3;
	_ =	sdelay $0x2  }
0x16a: {  	[tilespmem:s29], [sflag:$0x1] =	stream.indirect_vreg.gather [hbm4b:s1+s3], $0x80, v4, vm0, $0xb8;
	[tilespmem:$0x6080] =	vst v63  }
0x16b: {  	_ = 	snop  }
0x16c: {  	[tilespmem:s30], [sflag:$0x1] =	stream.indirect_vreg.gather [hbm4b:s1+s3], $0x80, v3, vm0, $0xb8;
	[tilespmem:$0x6080] =	vst v63  }
0x16d: {  	_ =	swait.ge [sflag:s31], $0x6000  }
0x16e: {  	[sflag:s31] =	ssyncset.done $0x0  }
0x16f: {  	[sflag:s31] =	ssyncadd.s32 $0xFFFFA000  }
0x170: {  	[hbm4b:s13+s3] =	stream.linear.scatter [tilespmem:s18], [sflag:$0x2], $0x6000, $0x38;
	[tilespmem:$0x6080] =	vst v63  }
0x171: {  	_ =	swait.ge [sflag:s17], $0x6000  }
0x172: {  	[sflag:s17] =	ssyncset.done $0x0  }
0x173: {  	[sflag:s17] =	ssyncadd.s32 $0xFFFFA000  }
0x174: {  	[tilespmem:s3], [sflag:$0x2] =	stream.linear.gather [hbm4b:s14+s3], $0x60, $0x38;
	[tilespmem:$0x6080] =	vst v63  }
0x175: {  	_ =	swait.ge [sflag:s17], $0x60  }
0x176: {  	[sflag:s17] =	ssyncset.done $0x0  }
0x177: {  	[sflag:s17] =	ssyncadd.s32 $0xFFFFFFA0  }
0x178: {  	v3 =	vld [tilespmem:$0x0];
	_ =	sdelay $0x4  }
0x179: {  	v58 =	vshll.u32 v3, $0x1  }
0x17a: {  	v3 =	vand.u32 $0x7, v3;
	v4 =	vand.u32 $0xFFFFFFF0, v58  }
0x17b: {  	v3 =	vor.u32 v3, v4  }
0x17c: {  	v4 =	vperm.xlane v3, v0;
	_ =	sdelay $0x1  }
0x17d: {  	v3 =	vperm.xlane v3, v2;
	v4 =	vadd.s32 v1, v4;
	_ =	sdelay $0x1  }
0x17e: {  	v3 =	vadd.s32 v1, v3;
	_ =	sdelay $0x2  }
0x17f: {  	[tilespmem:s18], [sflag:$0x1] =	stream.indirect_vreg.gather [hbm4b:s1+s3], $0x80, v4, vm0, $0xb8;
	[tilespmem:$0x6080] =	vst v63  }
0x180: {  	_ = 	snop  }
0x181: {  	[tilespmem:s19], [sflag:$0x1] =	stream.indirect_vreg.gather [hbm4b:s1+s3], $0x80, v3, vm0, $0xb8;
	[tilespmem:$0x6080] =	vst v63  }
0x182: {  	v3 =	vld [tilespmem:$0x10];
	_ =	sdelay $0x4  }
0x183: {  	v59 =	vshll.u32 v3, $0x1  }
0x184: {  	v3 =	vand.u32 $0x7, v3;
	v4 =	vand.u32 $0xFFFFFFF0, v59  }
0x185: {  	v3 =	vor.u32 v3, v4  }
0x186: {  	v4 =	vperm.xlane v3, v0;
	_ =	sdelay $0x1  }
0x187: {  	v3 =	vperm.xlane v3, v2;
	v4 =	vadd.s32 v1, v4;
	_ =	sdelay $0x1  }
0x188: {  	v3 =	vadd.s32 v1, v3;
	_ =	sdelay $0x2  }
0x189: {  	[tilespmem:s20], [sflag:$0x1] =	stream.indirect_vreg.gather [hbm4b:s1+s3], $0x80, v4, vm0, $0xb8;
	[tilespmem:$0x6080] =	vst v63  }
0x18a: {  	_ = 	snop  }
0x18b: {  	[tilespmem:s21], [sflag:$0x1] =	stream.indirect_vreg.gather [hbm4b:s1+s3], $0x80, v3, vm0, $0xb8;
	[tilespmem:$0x6080] =	vst v63  }
0x18c: {  	v3 =	vld [tilespmem:$0x20];
	_ =	sdelay $0x4  }
0x18d: {  	v60 =	vshll.u32 v3, $0x1  }
0x18e: {  	v3 =	vand.u32 $0x7, v3;
	v4 =	vand.u32 $0xFFFFFFF0, v60  }
0x18f: {  	v3 =	vor.u32 v3, v4  }
0x190: {  	v4 =	vperm.xlane v3, v0;
	_ =	sdelay $0x1  }
0x191: {  	v3 =	vperm.xlane v3, v2;
	v4 =	vadd.s32 v1, v4;
	_ =	sdelay $0x1  }
0x192: {  	v3 =	vadd.s32 v1, v3;
	_ =	sdelay $0x2  }
0x193: {  	[tilespmem:s22], [sflag:$0x1] =	stream.indirect_vreg.gather [hbm4b:s1+s3], $0x80, v4, vm0, $0xb8;
	[tilespmem:$0x6080] =	vst v63  }
0x194: {  	_ = 	snop  }
0x195: {  	[tilespmem:s23], [sflag:$0x1] =	stream.indirect_vreg.gather [hbm4b:s1+s3], $0x80, v3, vm0, $0xb8;
	[tilespmem:$0x6080] =	vst v63  }
0x196: {  	v3 =	vld [tilespmem:$0x30];
	_ =	sdelay $0x4  }
0x197: {  	v61 =	vshll.u32 v3, $0x1  }
0x198: {  	v3 =	vand.u32 $0x7, v3;
	v4 =	vand.u32 $0xFFFFFFF0, v61  }
0x199: {  	v3 =	vor.u32 v3, v4  }
0x19a: {  	v4 =	vperm.xlane v3, v0;
	_ =	sdelay $0x1  }
0x19b: {  	v3 =	vperm.xlane v3, v2;
	v4 =	vadd.s32 v1, v4;
	_ =	sdelay $0x1  }
0x19c: {  	v3 =	vadd.s32 v1, v3;
	_ =	sdelay $0x2  }
0x19d: {  	[tilespmem:s24], [sflag:$0x1] =	stream.indirect_vreg.gather [hbm4b:s1+s3], $0x80, v4, vm0, $0xb8;
	[tilespmem:$0x6080] =	vst v63  }
0x19e: {  	_ = 	snop  }
0x19f: {  	[tilespmem:s25], [sflag:$0x1] =	stream.indirect_vreg.gather [hbm4b:s1+s3], $0x80, v3, vm0, $0xb8;
	[tilespmem:$0x6080] =	vst v63  }
0x1a0: {  	v3 =	vld [tilespmem:$0x40];
	_ =	sdelay $0x4  }
0x1a1: {  	v62 =	vshll.u32 v3, $0x1  }
0x1a2: {  	v3 =	vand.u32 $0x7, v3;
	v4 =	vand.u32 $0xFFFFFFF0, v62  }
0x1a3: {  	v3 =	vor.u32 v3, v4  }
0x1a4: {  	v4 =	vperm.xlane v3, v0;
	_ =	sdelay $0x1  }
0x1a5: {  	v3 =	vperm.xlane v3, v2;
	v4 =	vadd.s32 v1, v4;
	_ =	sdelay $0x1  }
0x1a6: {  	v3 =	vadd.s32 v1, v3;
	_ =	sdelay $0x2  }
0x1a7: {  	[tilespmem:s26], [sflag:$0x1] =	stream.indirect_vreg.gather [hbm4b:s1+s3], $0x80, v4, vm0, $0xb8;
	[tilespmem:$0x6080] =	vst v63  }
0x1a8: {  	_ = 	snop  }
0x1a9: {  	[tilespmem:s28], [sflag:$0x1] =	stream.indirect_vreg.gather [hbm4b:s1+s3], $0x80, v3, vm0, $0xb8;
	[tilespmem:$0x6080] =	vst v63  }
0x1aa: {  	v3 =	vld [tilespmem:$0x50];
	_ =	sdelay $0x4  }
0x1ab: {  	v63 =	vshll.u32 v3, $0x1  }
0x1ac: {  	v3 =	vand.u32 $0x7, v3;
	v4 =	vand.u32 $0xFFFFFFF0, v63  }
0x1ad: {  	v3 =	vor.u32 v3, v4  }
0x1ae: {  	v4 =	vperm.xlane v3, v0;
	_ =	sdelay $0x1  }
0x1af: {  	v3 =	vperm.xlane v3, v2;
	v4 =	vadd.s32 v1, v4;
	_ =	sdelay $0x1  }
0x1b0: {  	v3 =	vadd.s32 v1, v3;
	_ =	sdelay $0x2  }
0x1b1: {  	[tilespmem:s29], [sflag:$0x1] =	stream.indirect_vreg.gather [hbm4b:s1+s3], $0x80, v4, vm0, $0xb8;
	[tilespmem:$0x6080] =	vst v63  }
0x1b2: {  	_ = 	snop  }
0x1b3: {  	[tilespmem:s30], [sflag:$0x1] =	stream.indirect_vreg.gather [hbm4b:s1+s3], $0x80, v3, vm0, $0xb8;
	[tilespmem:$0x6080] =	vst v63  }
0x1b4: {  	_ =	swait.ge [sflag:s31], $0x6000  }
0x1b5: {  	p0 =	sne.s32 s16, $0x1;
	[sflag:s31] =	ssyncset.done $0x0  }
.Ltmp0:
0x1b6: {  	[sflag:s31] =	ssyncadd.s32 $0xFFFFA000;
	(pc) =	sbr.rel @p0 .LBB2_1-.Ltmp0, $4  }
0x1b7: {  	[hbm4b:s15+s3] =	stream.linear.scatter [tilespmem:s18], [sflag:$0x2], $0x6000, $0x38;
	[tilespmem:$0x6080] =	vst v63  }
0x1b8: {  	_ =	swait.ge [sflag:s17], $0x6000  }
0x1b9: {  	[sflag:s17] =	ssyncset.done $0x0  }
0x1ba: {  	s16 =	sadd.s32 $0xFFFFFFFF, s16;
	[sflag:s17] =	ssyncadd.s32 $0xFFFFA000  }
0x1bb: {  	_ =	sfence.sel $0x180000  }
0x1bc: {  	[bflag:$0x0] =	sbarrier.arrive $0xFFFF  }
0x1bd: {  	p0 =	sne.s32 s0, $0x0;
	_ =	strace $0x90000047  }
0x1be: {  	s0 =	sadd.s32 @!p0 $0x100000, s2;
	[bflag:$0x2] =	sbarrier.arrive $0xFFFF  }
0x1bf: {  	[sflag:s0] =	ssyncadd.tile.s32 @!p0 $0x1;
	_ =	shalt  }
.Lfunc_end2:
_tile_overlayer_lowered:
.L_overlay_start_2:
0x1c0: {  	(tag) =	ssettag $0x2  }
0x1c1: {  	s0 =	rddreg [dreg:$0x0];
	s2 =	stileid.u32  }
0x1c2: {  	s1 =	rddreg [dreg:$0x1];
	p0 =	sne.s32 s2, $0x0  }
0x1c3: {  	s3 =	rddreg [dreg:$0x2];
	[bflag:$0x3] =	sbarrier.arrive $0xFFFF;
	s2 =	simm.s32 @!p0 $0x1C02  }
0x1c4: {  	[timem:s3], [sflag:s2] =	dma.local @!p0 [hbm:s0], s1  }
0x1c5: {  	s0 =	simm.s32 @!p0 $0x2  }
0x1c6: {  	_ =	swait.ge @!p0 [sflag:s0], s1  }
0x1c7: {  	s1 =	ssub.s32 @!p0 $0x0, s1;
	[sflag:s0] =	ssyncset.done @!p0 $0x0  }
0x1c8: {  	[sflag:s0] =	ssyncadd.s32 @!p0 s1  }
0x1c9: {  	[bflag:$0x3] =	sbarrier.arrive $0xFFFF  }
0x1ca: {  	_ =	shalt  }

</sc_bundles>
